<compile_context>
chip_gen: v7x
topology: tpu7x:2x2x1
jax: 0.10.2.dev20260603
libtpu: 0.0.44.dev20260713+nightly
codegen_flags: <defaults>
</compile_context>

<pallas_src>
import functools

import jax
import jax.numpy as jnp
import numpy as np
from jax import lax
from jax.experimental import pallas as pl
from jax.experimental.pallas import tpu as pltpu
from jax.experimental.pallas import tpu_sc as plsc

RHO_NUM = 100
B = 16384
D = 11

_TC_BLK = 4096
_TC_GRID = B // _TC_BLK
_ROWS_PER_W = B // 32
_GROUPS = _ROWS_PER_W // 16
_IND_N = _TC_GRID * 128


def _bucket_thresholds():
    c = np.float32(1.0 / RHO_NUM)
    t = np.array([np.float32(0.01 * i) for i in range(1, RHO_NUM)], np.float32)

    def bucket_id(s):
        r = np.sqrt(np.float32(s), dtype=np.float32)
        k = np.round(np.float32(r / c)).astype(np.float32)
        return int(np.sum(np.float32(k * c) >= t))

    out = np.empty(RHO_NUM - 1, np.float32)
    for j in range(1, RHO_NUM):
        lo, hi = 0, int(np.array(1e8, np.float32).view(np.uint32))
        while lo < hi:
            mid = (lo + hi) // 2
            if bucket_id(np.array(mid, np.uint32).view(np.float32)) >= j:
                hi = mid
            else:
                lo = mid + 1
        out[j - 1] = np.array(lo, np.uint32).view(np.float32)
    return out


_S_LIST = [float(v) for v in _bucket_thresholds()]


def _tc_body(z1_ref, z2_ref, col_ref, msk_ref, ind_ref, s_scr, m_scr):
    dx = z1_ref[:, D - 2] - z2_ref[:, D - 2]
    dy = z1_ref[:, D - 1] - z2_ref[:, D - 1]
    s = dx * dx + dy * dy
    mask = (z1_ref[:, 0] > 0.0) & (z2_ref[:, 0] > 0.0)
    sl = _TC_BLK // 128
    s_scr[...] = s.reshape(sl, 128)
    m_scr[...] = jnp.where(mask, 1.0, 0.0).reshape(sl, 128)
    s8 = s_scr[...]
    bid8 = jnp.zeros((sl, 128), jnp.int32)
    for thr in _S_LIST:
        bid8 = bid8 + (s8 >= thr).astype(jnp.int32)
    col_ref[...] = bid8.reshape(1, sl, 128)
    msk_ref[...] = m_scr[...].reshape(1, sl, 128)
    ne = jnp.max(jnp.where(z1_ref[...] != z2_ref[...], 1.0, 0.0))
    ind_ref[...] = jnp.full((1, 1, 128), ne, jnp.float32)


def _tc_stage(z_1, z_2):
    sl = _TC_BLK // 128
    return pl.pallas_call(
        _tc_body,
        grid=(_TC_GRID,),
        in_specs=[
            pl.BlockSpec((_TC_BLK, D), lambda i: (i, 0)),
            pl.BlockSpec((_TC_BLK, D), lambda i: (i, 0)),
        ],
        out_specs=[
            pl.BlockSpec((1, sl, 128), lambda i: (i, 0, 0)),
            pl.BlockSpec((1, sl, 128), lambda i: (i, 0, 0)),
            pl.BlockSpec((1, 1, 128), lambda i: (i, 0, 0)),
        ],
        out_shape=[
            jax.ShapeDtypeStruct((_TC_GRID, sl, 128), jnp.int32),
            jax.ShapeDtypeStruct((_TC_GRID, sl, 128), jnp.float32),
            jax.ShapeDtypeStruct((_TC_GRID, 1, 128), jnp.float32),
        ],
        scratch_shapes=[
            pltpu.VMEM((sl, 128), jnp.float32),
            pltpu.VMEM((sl, 128), jnp.float32),
        ],
    )(z_1, z_2)


def _sc_body(dg_hbm, col_hbm, msk_hbm, ind_hbm, sat_hbm,
             slabv, colv, maskv, valv, indv, sem):
    wid = lax.axis_index("s") * 2 + lax.axis_index("c")
    rbase = wid * _ROWS_PER_W

    loads = [
        pltpu.async_copy(dg_hbm.at[pl.ds(rbase, _ROWS_PER_W)], slabv, sem),
        pltpu.async_copy(col_hbm.at[pl.ds(rbase, _ROWS_PER_W)], colv, sem),
        pltpu.async_copy(msk_hbm.at[pl.ds(rbase, _ROWS_PER_W)], maskv, sem),
        pltpu.async_copy(ind_hbm, indv, sem),
    ]
    for ld in loads:
        ld.wait()

    ne = jnp.zeros((16,), jnp.float32)
    for k in range(_IND_N // 16):
        ne = jnp.maximum(ne, indv[pl.ds(k * 16, 16)])
    gate = jnp.where(jnp.max(ne) > 0.0, 1.0, 0.0)

    lanes = lax.iota(jnp.int32, 16)

    def group(g, _):
        slc = pl.ds(g * 16, 16)
        rloc = g * 16 + lanes
        cols = colv[slc]
        v = plsc.load_gather(slabv, [rloc, cols])
        valv[slc] = v * maskv[slc] * gate
        return 0

    lax.fori_loop(0, _GROUPS, group, 0)
    pltpu.sync_copy(valv, sat_hbm.at[pl.ds(rbase, _ROWS_PER_W)])


_sc_fn = functools.partial(
    pl.kernel,
    mesh=plsc.VectorSubcoreMesh(core_axis_name="c", subcore_axis_name="s"),
    compiler_params=pltpu.CompilerParams(needs_layout_passes=False),
    out_type=jax.ShapeDtypeStruct((B,), jnp.float32),
    scratch_types=[
        pltpu.VMEM((_ROWS_PER_W, RHO_NUM), jnp.float32),
        pltpu.VMEM((_ROWS_PER_W,), jnp.int32),
        pltpu.VMEM((_ROWS_PER_W,), jnp.float32),
        pltpu.VMEM((_ROWS_PER_W,), jnp.float32),
        pltpu.VMEM((_IND_N,), jnp.float32),
        pltpu.SemaphoreType.DMA,
    ],
)(_sc_body)


def kernel(z_1, z_2, dist_grade, img, given_param):
    col, msk, ind = _tc_stage(z_1, z_2)
    return _sc_fn(dist_grade, col.reshape(-1), msk.reshape(-1),
                  ind.reshape(-1))

# --- scband reference (transcript-rebuilt; emitter-appended) ---
"""Pipeline reference for scband-fcnnrho-valuation-function-27419071217677 (READ-ONLY COPY).

The authoritative reference and input builder live on the scoring server;
editing this copy changes nothing except your own understanding.
"""

import jax, jax.numpy as jnp
import numpy as np

RHO_NUM = 100
B = 16384
D = 11

def closest_one_percent(rho, th):
    # math_utils.closest_one_percent: round to nearest multiple of th
    return jnp.round(rho / th) * th

def setup_inputs(seed: int = 0):
    key = jax.random.key(seed)
    k1, k2, k3 = jax.random.split(key, 3)
    z_1 = jax.random.normal(k1, (B, D), dtype=jnp.float32)
    z_2 = jax.random.normal(k2, (B, D), dtype=jnp.float32)
    dist_grade = jax.random.uniform(k3, (B, RHO_NUM), dtype=jnp.float32)
    img = jnp.zeros((B,), dtype=jnp.float32)
    given_param = jnp.zeros((0,), dtype=jnp.float32)
    return {"z_1": z_1, "z_2": z_2, "dist_grade": dist_grade, "img": img, "given_param": given_param}

def reference(z_1, z_2, dist_grade, img, given_param):
    rho_num = RHO_NUM
    error_th = 1.0 / rho_num
    all_eq = jnp.all(z_1 == z_2)
    mask = (z_1[:, 0] > 0) & (z_2[:, 0] > 0)
    dir_vec = z_1[:, -2:].T - z_2[:, -2:].T
    dx = dir_vec[0]
    dy = -dir_vec[1]
    rho = jnp.sqrt(dx ** 2 + dy ** 2)
    rho = closest_one_percent(rho, error_th)
    grade_weight = 1.0 / rho_num
    dist_id = jnp.zeros(rho.shape, dtype=jnp.float32)
    for i in range(1, rho_num):
        dist_id = jnp.where(rho >= grade_weight * i, float(i), dist_id)
    ids = dist_id.astype(jnp.int32)
    dist_pred = jnp.zeros(dist_grade.shape, dtype=jnp.float32).at[jnp.arange(dist_grade.shape[0]), ids].set(1.0)
    satisfaction = (dist_grade * dist_pred).sum(axis=1) * mask.astype(jnp.float32)
    satisfaction = satisfaction + jnp.sum(given_param) * 0.0
    return jnp.where(all_eq, jnp.zeros(z_2.shape[0], dtype=jnp.float32), satisfaction)

if __name__ == "__main__":
    import jax
    _d = setup_inputs()
    print(jax.jit(kernel)(*tuple(_d.values())))

</pallas_src>

<mosaic_0001>
#map = affine_map<(d0, d1) -> (0, 0)>
#map1 = affine_map<(d0, d1) -> (0)>
module attributes {stable_mosaic.version = 14 : i64} {
  func.func @_sc_body(%arg0: i32, %arg1: i32, %arg2: memref<16384x100xf32, #tpu.memory_space<hbm>>, %arg3: memref<16384xi32, #tpu.memory_space<hbm>>, %arg4: memref<16384xf32, #tpu.memory_space<hbm>>, %arg5: memref<512xf32, #tpu.memory_space<hbm>>, %arg6: memref<16384xf32, #tpu.memory_space<hbm>>, %arg7: memref<512x100xf32, #tpu.memory_space<vmem>>, %arg8: memref<512xi32, #tpu.memory_space<vmem>>, %arg9: memref<512xf32, #tpu.memory_space<vmem>>, %arg10: memref<512xf32, #tpu.memory_space<vmem>>, %arg11: memref<512xf32, #tpu.memory_space<vmem>>, %arg12: memref<!tpu.dma_semaphore, #tpu.memory_space<semaphore_mem>>) attributes {dimension_semantics = [#tpu.dimension_semantics<core_parallel>, #tpu.dimension_semantics<subcore_parallel>], iteration_bounds = array<i64: 2, 16>, scalar_prefetch = 0 : i64, scratch_operands = 6 : i64, tpu.core_type = #tpu.core_type<sc_vector_subcore>, window_params = [{transform_indices = #map}, {transform_indices = #map1}, {transform_indices = #map1}, {transform_indices = #map1}, {transform_indices = #map1}]} {
    %mul3A = arith.constant 2 : i32
    %mul3A_0 = arith.muli %arg1, %mul3A : i32
    %add3A = arith.addi %mul3A_0, %arg0 : i32
    %mul3A_1 = arith.constant 512 : i32
    %mul3A_2 = arith.muli %add3A, %mul3A_1 : i32
    %dma_start3A = arith.constant 0 : i32
    %dma_start3A_3 = tpu.memref_slice %arg2[%mul3A_2, %dma_start3A] : memref<16384x100xf32, #tpu.memory_space<hbm>> -> memref<512x100xf32, #tpu.memory_space<hbm>>
    %dma_start3A_4 = arith.constant 0 : i32
    %dma_start3A_5 = tpu.memref_slice %arg2[%mul3A_2, %dma_start3A_4] : memref<16384x100xf32, #tpu.memory_space<hbm>> -> memref<512x100xf32, #tpu.memory_space<hbm>>
    tpu.enqueue_dma source(%dma_start3A_5 : memref<512x100xf32, #tpu.memory_space<hbm>>) target(%arg7 : memref<512x100xf32, #tpu.memory_space<vmem>>) target_semaphore(%arg12 : memref<!tpu.dma_semaphore, #tpu.memory_space<semaphore_mem>>)
    %dma_start3A_6 = tpu.memref_slice %arg3[%mul3A_2] : memref<16384xi32, #tpu.memory_space<hbm>> -> memref<512xi32, #tpu.memory_space<hbm>>
    %dma_start3A_7 = tpu.memref_slice %arg3[%mul3A_2] : memref<16384xi32, #tpu.memory_space<hbm>> -> memref<512xi32, #tpu.memory_space<hbm>>
    tpu.enqueue_dma source(%dma_start3A_7 : memref<512xi32, #tpu.memory_space<hbm>>) target(%arg8 : memref<512xi32, #tpu.memory_space<vmem>>) target_semaphore(%arg12 : memref<!tpu.dma_semaphore, #tpu.memory_space<semaphore_mem>>)
    %dma_start3A_8 = tpu.memref_slice %arg4[%mul3A_2] : memref<16384xf32, #tpu.memory_space<hbm>> -> memref<512xf32, #tpu.memory_space<hbm>>
    %dma_start3A_9 = tpu.memref_slice %arg4[%mul3A_2] : memref<16384xf32, #tpu.memory_space<hbm>> -> memref<512xf32, #tpu.memory_space<hbm>>
    tpu.enqueue_dma source(%dma_start3A_9 : memref<512xf32, #tpu.memory_space<hbm>>) target(%arg9 : memref<512xf32, #tpu.memory_space<vmem>>) target_semaphore(%arg12 : memref<!tpu.dma_semaphore, #tpu.memory_space<semaphore_mem>>)
    tpu.enqueue_dma source(%arg5 : memref<512xf32, #tpu.memory_space<hbm>>) target(%arg11 : memref<512xf32, #tpu.memory_space<vmem>>) target_semaphore(%arg12 : memref<!tpu.dma_semaphore, #tpu.memory_space<semaphore_mem>>)
    %dma_wait3A = arith.constant 0 : i32
    %dma_wait3A_10 = tpu.memref_slice %arg2[%mul3A_2, %dma_wait3A] : memref<16384x100xf32, #tpu.memory_space<hbm>> -> memref<512x100xf32, #tpu.memory_space<hbm>>
    %dma_wait3A_11 = arith.constant 0 : i32
    %dma_wait3A_12 = tpu.memref_slice %arg2[%mul3A_2, %dma_wait3A_11] : memref<16384x100xf32, #tpu.memory_space<hbm>> -> memref<512x100xf32, #tpu.memory_space<hbm>>
    tpu.wait_dma2 semaphore(%arg12 : memref<!tpu.dma_semaphore, #tpu.memory_space<semaphore_mem>>) src(%dma_wait3A_12 : memref<512x100xf32, #tpu.memory_space<hbm>>) dst(%arg7 : memref<512x100xf32, #tpu.memory_space<vmem>>)
    %dma_wait3A_13 = tpu.memref_slice %arg3[%mul3A_2] : memref<16384xi32, #tpu.memory_space<hbm>> -> memref<512xi32, #tpu.memory_space<hbm>>
    %dma_wait3A_14 = tpu.memref_slice %arg3[%mul3A_2] : memref<16384xi32, #tpu.memory_space<hbm>> -> memref<512xi32, #tpu.memory_space<hbm>>
    tpu.wait_dma2 semaphore(%arg12 : memref<!tpu.dma_semaphore, #tpu.memory_space<semaphore_mem>>) src(%dma_wait3A_14 : memref<512xi32, #tpu.memory_space<hbm>>) dst(%arg8 : memref<512xi32, #tpu.memory_space<vmem>>)
    %dma_wait3A_15 = tpu.memref_slice %arg4[%mul3A_2] : memref<16384xf32, #tpu.memory_space<hbm>> -> memref<512xf32, #tpu.memory_space<hbm>>
    %dma_wait3A_16 = tpu.memref_slice %arg4[%mul3A_2] : memref<16384xf32, #tpu.memory_space<hbm>> -> memref<512xf32, #tpu.memory_space<hbm>>
    tpu.wait_dma2 semaphore(%arg12 : memref<!tpu.dma_semaphore, #tpu.memory_space<semaphore_mem>>) src(%dma_wait3A_16 : memref<512xf32, #tpu.memory_space<hbm>>) dst(%arg9 : memref<512xf32, #tpu.memory_space<vmem>>)
    tpu.wait_dma2 semaphore(%arg12 : memref<!tpu.dma_semaphore, #tpu.memory_space<semaphore_mem>>) src(%arg5 : memref<512xf32, #tpu.memory_space<hbm>>) dst(%arg11 : memref<512xf32, #tpu.memory_space<vmem>>)
    %broadcast_in_dim3A = arith.constant 0.000000e+00 : f32
    %broadcast_in_dim3A_17 = vector.broadcast %broadcast_in_dim3A : f32 to vector<16xf32>
    %get3A = arith.constant 0 : index
    %get3A_18 = tpu.vector_load %arg11[%get3A] {strides = array<i32>} : memref<512xf32, #tpu.memory_space<vmem>>, vector<16xf32>,
    %max3A = arith.maximumf %broadcast_in_dim3A_17, %get3A_18 : vector<16xf32>
    %get3A_19 = arith.constant 16 : index
    %get3A_20 = tpu.vector_load %arg11[%get3A_19] {strides = array<i32>} : memref<512xf32, #tpu.memory_space<vmem>>, vector<16xf32>,
    %max3A_21 = arith.maximumf %max3A, %get3A_20 : vector<16xf32>
    %get3A_22 = arith.constant 32 : index
    %get3A_23 = tpu.vector_load %arg11[%get3A_22] {strides = array<i32>} : memref<512xf32, #tpu.memory_space<vmem>>, vector<16xf32>,
    %max3A_24 = arith.maximumf %max3A_21, %get3A_23 : vector<16xf32>
    %get3A_25 = arith.constant 48 : index
    %get3A_26 = tpu.vector_load %arg11[%get3A_25] {strides = array<i32>} : memref<512xf32, #tpu.memory_space<vmem>>, vector<16xf32>,
    %max3A_27 = arith.maximumf %max3A_24, %get3A_26 : vector<16xf32>
    %get3A_28 = arith.constant 64 : index
    %get3A_29 = tpu.vector_load %arg11[%get3A_28] {strides = array<i32>} : memref<512xf32, #tpu.memory_space<vmem>>, vector<16xf32>,
    %max3A_30 = arith.maximumf %max3A_27, %get3A_29 : vector<16xf32>
    %get3A_31 = arith.constant 80 : index
    %get3A_32 = tpu.vector_load %arg11[%get3A_31] {strides = array<i32>} : memref<512xf32, #tpu.memory_space<vmem>>, vector<16xf32>,
    %max3A_33 = arith.maximumf %max3A_30, %get3A_32 : vector<16xf32>
    %get3A_34 = arith.constant 96 : index
    %get3A_35 = tpu.vector_load %arg11[%get3A_34] {strides = array<i32>} : memref<512xf32, #tpu.memory_space<vmem>>, vector<16xf32>,
    %max3A_36 = arith.maximumf %max3A_33, %get3A_35 : vector<16xf32>
    %get3A_37 = arith.constant 112 : index
    %get3A_38 = tpu.vector_load %arg11[%get3A_37] {strides = array<i32>} : memref<512xf32, #tpu.memory_space<vmem>>, vector<16xf32>,
    %max3A_39 = arith.maximumf %max3A_36, %get3A_38 : vector<16xf32>
    %get3A_40 = arith.constant 128 : index
    %get3A_41 = tpu.vector_load %arg11[%get3A_40] {strides = array<i32>} : memref<512xf32, #tpu.memory_space<vmem>>, vector<16xf32>,
    %max3A_42 = arith.maximumf %max3A_39, %get3A_41 : vector<16xf32>
    %get3A_43 = arith.constant 144 : index
    %get3A_44 = tpu.vector_load %arg11[%get3A_43] {strides = array<i32>} : memref<512xf32, #tpu.memory_space<vmem>>, vector<16xf32>,
    %max3A_45 = arith.maximumf %max3A_42, %get3A_44 : vector<16xf32>
    %get3A_46 = arith.constant 160 : index
    %get3A_47 = tpu.vector_load %arg11[%get3A_46] {strides = array<i32>} : memref<512xf32, #tpu.memory_space<vmem>>, vector<16xf32>,
    %max3A_48 = arith.maximumf %max3A_45, %get3A_47 : vector<16xf32>
    %get3A_49 = arith.constant 176 : index
    %get3A_50 = tpu.vector_load %arg11[%get3A_49] {strides = array<i32>} : memref<512xf32, #tpu.memory_space<vmem>>, vector<16xf32>,
    %max3A_51 = arith.maximumf %max3A_48, %get3A_50 : vector<16xf32>
    %get3A_52 = arith.constant 192 : index
    %get3A_53 = tpu.vector_load %arg11[%get3A_52] {strides = array<i32>} : memref<512xf32, #tpu.memory_space<vmem>>, vector<16xf32>,
    %max3A_54 = arith.maximumf %max3A_51, %get3A_53 : vector<16xf32>
    %get3A_55 = arith.constant 208 : index
    %get3A_56 = tpu.vector_load %arg11[%get3A_55] {strides = array<i32>} : memref<512xf32, #tpu.memory_space<vmem>>, vector<16xf32>,
    %max3A_57 = arith.maximumf %max3A_54, %get3A_56 : vector<16xf32>
    %get3A_58 = arith.constant 224 : index
    %get3A_59 = tpu.vector_load %arg11[%get3A_58] {strides = array<i32>} : memref<512xf32, #tpu.memory_space<vmem>>, vector<16xf32>,
    %max3A_60 = arith.maximumf %max3A_57, %get3A_59 : vector<16xf32>
    %get3A_61 = arith.constant 240 : index
    %get3A_62 = tpu.vector_load %arg11[%get3A_61] {strides = array<i32>} : memref<512xf32, #tpu.memory_space<vmem>>, vector<16xf32>,
    %max3A_63 = arith.maximumf %max3A_60, %get3A_62 : vector<16xf32>
    %get3A_64 = arith.constant 256 : index
    %get3A_65 = tpu.vector_load %arg11[%get3A_64] {strides = array<i32>} : memref<512xf32, #tpu.memory_space<vmem>>, vector<16xf32>,
    %max3A_66 = arith.maximumf %max3A_63, %get3A_65 : vector<16xf32>
    %get3A_67 = arith.constant 272 : index
    %get3A_68 = tpu.vector_load %arg11[%get3A_67] {strides = array<i32>} : memref<512xf32, #tpu.memory_space<vmem>>, vector<16xf32>,
    %max3A_69 = arith.maximumf %max3A_66, %get3A_68 : vector<16xf32>
    %get3A_70 = arith.constant 288 : index
    %get3A_71 = tpu.vector_load %arg11[%get3A_70] {strides = array<i32>} : memref<512xf32, #tpu.memory_space<vmem>>, vector<16xf32>,
    %max3A_72 = arith.maximumf %max3A_69, %get3A_71 : vector<16xf32>
    %get3A_73 = arith.constant 304 : index
    %get3A_74 = tpu.vector_load %arg11[%get3A_73] {strides = array<i32>} : memref<512xf32, #tpu.memory_space<vmem>>, vector<16xf32>,
    %max3A_75 = arith.maximumf %max3A_72, %get3A_74 : vector<16xf32>
    %get3A_76 = arith.constant 320 : index
    %get3A_77 = tpu.vector_load %arg11[%get3A_76] {strides = array<i32>} : memref<512xf32, #tpu.memory_space<vmem>>, vector<16xf32>,
    %max3A_78 = arith.maximumf %max3A_75, %get3A_77 : vector<16xf32>
    %get3A_79 = arith.constant 336 : index
    %get3A_80 = tpu.vector_load %arg11[%get3A_79] {strides = array<i32>} : memref<512xf32, #tpu.memory_space<vmem>>, vector<16xf32>,
    %max3A_81 = arith.maximumf %max3A_78, %get3A_80 : vector<16xf32>
    %get3A_82 = arith.constant 352 : index
    %get3A_83 = tpu.vector_load %arg11[%get3A_82] {strides = array<i32>} : memref<512xf32, #tpu.memory_space<vmem>>, vector<16xf32>,
    %max3A_84 = arith.maximumf %max3A_81, %get3A_83 : vector<16xf32>
    %get3A_85 = arith.constant 368 : index
    %get3A_86 = tpu.vector_load %arg11[%get3A_85] {strides = array<i32>} : memref<512xf32, #tpu.memory_space<vmem>>, vector<16xf32>,
    %max3A_87 = arith.maximumf %max3A_84, %get3A_86 : vector<16xf32>
    %get3A_88 = arith.constant 384 : index
    %get3A_89 = tpu.vector_load %arg11[%get3A_88] {strides = array<i32>} : memref<512xf32, #tpu.memory_space<vmem>>, vector<16xf32>,
    %max3A_90 = arith.maximumf %max3A_87, %get3A_89 : vector<16xf32>
    %get3A_91 = arith.constant 400 : index
    %get3A_92 = tpu.vector_load %arg11[%get3A_91] {strides = array<i32>} : memref<512xf32, #tpu.memory_space<vmem>>, vector<16xf32>,
    %max3A_93 = arith.maximumf %max3A_90, %get3A_92 : vector<16xf32>
    %get3A_94 = arith.constant 416 : index
    %get3A_95 = tpu.vector_load %arg11[%get3A_94] {strides = array<i32>} : memref<512xf32, #tpu.memory_space<vmem>>, vector<16xf32>,
    %max3A_96 = arith.maximumf %max3A_93, %get3A_95 : vector<16xf32>
    %get3A_97 = arith.constant 432 : index
    %get3A_98 = tpu.vector_load %arg11[%get3A_97] {strides = array<i32>} : memref<512xf32, #tpu.memory_space<vmem>>, vector<16xf32>,
    %max3A_99 = arith.maximumf %max3A_96, %get3A_98 : vector<16xf32>
    %get3A_100 = arith.constant 448 : index
    %get3A_101 = tpu.vector_load %arg11[%get3A_100] {strides = array<i32>} : memref<512xf32, #tpu.memory_space<vmem>>, vector<16xf32>,
    %max3A_102 = arith.maximumf %max3A_99, %get3A_101 : vector<16xf32>
    %get3A_103 = arith.constant 464 : index
    %get3A_104 = tpu.vector_load %arg11[%get3A_103] {strides = array<i32>} : memref<512xf32, #tpu.memory_space<vmem>>, vector<16xf32>,
    %max3A_105 = arith.maximumf %max3A_102, %get3A_104 : vector<16xf32>
    %get3A_106 = arith.constant 480 : index
    %get3A_107 = tpu.vector_load %arg11[%get3A_106] {strides = array<i32>} : memref<512xf32, #tpu.memory_space<vmem>>, vector<16xf32>,
    %max3A_108 = arith.maximumf %max3A_105, %get3A_107 : vector<16xf32>
    %get3A_109 = arith.constant 496 : index
    %get3A_110 = tpu.vector_load %arg11[%get3A_109] {strides = array<i32>} : memref<512xf32, #tpu.memory_space<vmem>>, vector<16xf32>,
    %max3A_111 = arith.maximumf %max3A_108, %get3A_110 : vector<16xf32>
    %reduce_max3A = arith.constant true
    %reduce_max3A_112 = vector.broadcast %reduce_max3A : i1 to vector<16xi1>
    %reduce_max3A_113 = tpu.scan <max>, %max3A_111 masked %reduce_max3A_112 : vector<16xf32>, vector<16xi1> -> vector<16xf32>
    %reduce_max3A_114 = vector.extract %reduce_max3A_113[15] : f32 from vector<16xf32>
    %gt3A = arith.constant 0.000000e+00 : f32
    %gt3A_115 = arith.cmpf ogt, %reduce_max3A_114, %gt3A : f32
    %jit3A = arith.constant 1.000000e+00 : f32
    %jit3A_116 = arith.constant 0.000000e+00 : f32
    %select_n3A = arith.select %gt3A_115, %jit3A, %jit3A_116 : f32
    %iota3A = tpu.iota {dimensions = array<i32: 0>} : vector<16xi32>
    %scan3A = arith.constant 0 : i32
    %scan3A_117 = arith.constant 0 : i32
    %scan3A_118 = arith.constant 32 : i32
    %scan3A_119 = arith.addi %scan3A_117, %scan3A_118 : i32
    %scan3A_120 = arith.constant 1 : i32
    %scan3A_121 = scf.for %scan3A_123 = %scan3A_117 to %scan3A_119 step %scan3A_120 iter_args(%scan3A_124 = %scan3A) -> (i32)  : i32 {
      %mul3A_125 = arith.constant 16 : i32
      %mul3A_126 = arith.muli %scan3A_123, %mul3A_125 : i32
      %mul3A_127 = arith.constant 16 : i32
      %mul3A_128 = arith.muli %scan3A_123, %mul3A_127 : i32
      %add3A_129 = vector.broadcast %mul3A_128 : i32 to vector<16xi32>
      %add3A_130 = arith.addi %add3A_129, %iota3A : vector<16xi32>
      %get3A_131 = arith.index_cast %mul3A_126 : i32 to index
      %get3A_132 = tpu.vector_load %arg8[%get3A_131] {strides = array<i32>} : memref<512xi32, #tpu.memory_space<vmem>>, vector<16xi32>,
      %gather3A = tpu.vector_load_idx %arg7[%add3A_130, %get3A_132] : memref<512x100xf32, #tpu.memory_space<vmem>>[vector<16xi32>, vector<16xi32>], vector<16xf32>,
      %get3A_133 = arith.index_cast %mul3A_126 : i32 to index
      %get3A_134 = tpu.vector_load %arg9[%get3A_133] {strides = array<i32>} : memref<512xf32, #tpu.memory_space<vmem>>, vector<16xf32>,
      %mul3A_135 = arith.mulf %gather3A, %get3A_134 : vector<16xf32>
      %mul3A_136 = vector.broadcast %select_n3A : f32 to vector<16xf32>
      %mul3A_137 = arith.mulf %mul3A_135, %mul3A_136 : vector<16xf32>
      %swap3A = arith.index_cast %mul3A_126 : i32 to index
      %swap3A_138 = tpu.vector_load %arg10[%swap3A] {strides = array<i32>} : memref<512xf32, #tpu.memory_space<vmem>>, vector<16xf32>,
      tpu.vector_store %arg10[%swap3A], %mul3A_137 {strides = array<i32>} : memref<512xf32, #tpu.memory_space<vmem>>, vector<16xf32>,
      %scan3A_139 = arith.constant 0 : i32
      scf.yield %scan3A_139 : i32
    }
    %scan3A_122 = arith.constant 32 : i32
    "tpu.region"() ({
      %run_scoped3A = tpu.sem_alloc : memref<!tpu.dma_semaphore, #tpu.memory_space<semaphore_mem>>
      %dma_start3A_123 = tpu.memref_slice %arg6[%mul3A_2] : memref<16384xf32, #tpu.memory_space<hbm>> -> memref<512xf32, #tpu.memory_space<hbm>>
      %dma_start3A_124 = tpu.memref_slice %arg6[%mul3A_2] : memref<16384xf32, #tpu.memory_space<hbm>> -> memref<512xf32, #tpu.memory_space<hbm>>
      tpu.enqueue_dma source(%arg10 : memref<512xf32, #tpu.memory_space<vmem>>) target(%dma_start3A_124 : memref<512xf32, #tpu.memory_space<hbm>>) target_semaphore(%run_scoped3A : memref<!tpu.dma_semaphore, #tpu.memory_space<semaphore_mem>>)
      %dma_wait3A_125 = tpu.memref_slice %arg6[%mul3A_2] : memref<16384xf32, #tpu.memory_space<hbm>> -> memref<512xf32, #tpu.memory_space<hbm>>
      %dma_wait3A_126 = tpu.memref_slice %arg6[%mul3A_2] : memref<16384xf32, #tpu.memory_space<hbm>> -> memref<512xf32, #tpu.memory_space<hbm>>
      tpu.wait_dma2 semaphore(%run_scoped3A : memref<!tpu.dma_semaphore, #tpu.memory_space<semaphore_mem>>) src(%arg10 : memref<512xf32, #tpu.memory_space<vmem>>) dst(%dma_wait3A_126 : memref<512xf32, #tpu.memory_space<hbm>>)
      tpu.yield
    }) : () -> ()
    return
  }
}

module attributes {stable_mosaic.version = 14 : i64} {
  func.func @_tc_body(%arg0: i32, %arg1: memref<4096x11xf32, #tpu.memory_space<vmem>>, %arg2: memref<4096x11xf32, #tpu.memory_space<vmem>>, %arg3: memref<1x32x128xi32, #tpu.memory_space<vmem>>, %arg4: memref<1x32x128xf32, #tpu.memory_space<vmem>>, %arg5: memref<1x1x128xf32, #tpu.memory_space<vmem>>, %arg6: memref<32x128xf32, #tpu.memory_space<vmem>>, %arg7: memref<32x128xf32, #tpu.memory_space<vmem>>) attributes {dimension_semantics = [#tpu.dimension_semantics<arbitrary>], iteration_bounds = array<i64: 4>, scalar_prefetch = 0 : i64, scratch_operands = 2 : i64, tpu.core_type = #tpu.core_type<tc>, window_params = [{transform_indices = @transform_0, window_bounds = array<i64: 4096, 11>}, {transform_indices = @transform_1, window_bounds = array<i64: 4096, 11>}, {transform_indices = @transform_2, window_bounds = array<i64: 1, 32, 128>}, {transform_indices = @transform_3, window_bounds = array<i64: 1, 32, 128>}, {transform_indices = @transform_4, window_bounds = array<i64: 1, 1, 128>}]} {
    %get3A = arith.constant 0 : index
    %get3A_0 = arith.constant 9 : index
    %get3A_1 = vector.load %arg1[%get3A, %get3A_0] : memref<4096x11xf32, #tpu.memory_space<vmem>>, vector<4096x1xf32>
    %get3A_2 = vector.shape_cast %get3A_1 : vector<4096x1xf32> to vector<4096xf32>
    %get3A_3 = arith.constant 0 : index
    %get3A_4 = arith.constant 9 : index
    %get3A_5 = vector.load %arg2[%get3A_3, %get3A_4] : memref<4096x11xf32, #tpu.memory_space<vmem>>, vector<4096x1xf32>
    %get3A_6 = vector.shape_cast %get3A_5 : vector<4096x1xf32> to vector<4096xf32>
    %sub3A = arith.subf %get3A_2, %get3A_6 : vector<4096xf32>
    %get3A_7 = arith.constant 0 : index
    %get3A_8 = arith.constant 10 : index
    %get3A_9 = vector.load %arg1[%get3A_7, %get3A_8] : memref<4096x11xf32, #tpu.memory_space<vmem>>, vector<4096x1xf32>
    %get3A_10 = vector.shape_cast %get3A_9 : vector<4096x1xf32> to vector<4096xf32>
    %get3A_11 = arith.constant 0 : index
    %get3A_12 = arith.constant 10 : index
    %get3A_13 = vector.load %arg2[%get3A_11, %get3A_12] : memref<4096x11xf32, #tpu.memory_space<vmem>>, vector<4096x1xf32>
    %get3A_14 = vector.shape_cast %get3A_13 : vector<4096x1xf32> to vector<4096xf32>
    %sub3A_15 = arith.subf %get3A_10, %get3A_14 : vector<4096xf32>
    %mul3A = arith.mulf %sub3A, %sub3A : vector<4096xf32>
    %mul3A_16 = arith.mulf %sub3A_15, %sub3A_15 : vector<4096xf32>
    %add3A = arith.addf %mul3A, %mul3A_16 : vector<4096xf32>
    %get3A_17 = arith.constant 0 : index
    %get3A_18 = arith.constant 0 : index
    %get3A_19 = vector.load %arg1[%get3A_17, %get3A_18] : memref<4096x11xf32, #tpu.memory_space<vmem>>, vector<4096x1xf32>
    %get3A_20 = vector.shape_cast %get3A_19 : vector<4096x1xf32> to vector<4096xf32>
    %gt3A = arith.constant 0.000000e+00 : f32
    %gt3A_21 = vector.broadcast %gt3A : f32 to vector<4096xf32>
    %gt3A_22 = arith.cmpf ogt, %get3A_20, %gt3A_21 : vector<4096xf32>
    %get3A_23 = arith.constant 0 : index
    %get3A_24 = arith.constant 0 : index
    %get3A_25 = vector.load %arg2[%get3A_23, %get3A_24] : memref<4096x11xf32, #tpu.memory_space<vmem>>, vector<4096x1xf32>
    %get3A_26 = vector.shape_cast %get3A_25 : vector<4096x1xf32> to vector<4096xf32>
    %gt3A_27 = arith.constant 0.000000e+00 : f32
    %gt3A_28 = vector.broadcast %gt3A_27 : f32 to vector<4096xf32>
    %gt3A_29 = arith.cmpf ogt, %get3A_26, %gt3A_28 : vector<4096xf32>
    %and3A = arith.andi %gt3A_22, %gt3A_29 : vector<4096xi1>
    %reshape3A = vector.shape_cast %add3A : vector<4096xf32> to vector<32x128xf32>
    %swap3A = arith.constant 0 : index
    %swap3A_30 = arith.constant 0 : index
    %swap3A_31 = vector.load %arg6[%swap3A, %swap3A_30] : memref<32x128xf32, #tpu.memory_space<vmem>>, vector<32x128xf32>
    tpu.vector_store %arg6[%swap3A, %swap3A_30], %reshape3A {strides = array<i32>} : memref<32x128xf32, #tpu.memory_space<vmem>>, vector<32x128xf32>,
    %jit3A = arith.constant 1.000000e+00 : f32
    %jit3A_32 = arith.constant 0.000000e+00 : f32
    %broadcast_in_dim3A = vector.broadcast %jit3A : f32 to vector<4096xf32>
    %broadcast_in_dim3A_33 = vector.broadcast %jit3A_32 : f32 to vector<4096xf32>
    %select_n3A = arith.select %and3A, %broadcast_in_dim3A, %broadcast_in_dim3A_33 : vector<4096xi1>, vector<4096xf32>
    %reshape3A_34 = vector.shape_cast %select_n3A : vector<4096xf32> to vector<32x128xf32>
    %swap3A_35 = arith.constant 0 : index
    %swap3A_36 = arith.constant 0 : index
    %swap3A_37 = vector.load %arg7[%swap3A_35, %swap3A_36] : memref<32x128xf32, #tpu.memory_space<vmem>>, vector<32x128xf32>
    tpu.vector_store %arg7[%swap3A_35, %swap3A_36], %reshape3A_34 {strides = array<i32>} : memref<32x128xf32, #tpu.memory_space<vmem>>, vector<32x128xf32>,
    %get3A_38 = arith.constant 0 : index
    %get3A_39 = arith.constant 0 : index
    %get3A_40 = vector.load %arg6[%get3A_38, %get3A_39] : memref<32x128xf32, #tpu.memory_space<vmem>>, vector<32x128xf32>
    %broadcast_in_dim3A_41 = arith.constant 0 : i32
    %broadcast_in_dim3A_42 = vector.broadcast %broadcast_in_dim3A_41 : i32 to vector<32x128xi32>
    %ge3A = arith.constant 2.5000003E-5 : f32
    %ge3A_43 = vector.broadcast %ge3A : f32 to vector<32x128xf32>
    %ge3A_44 = arith.cmpf oge, %get3A_40, %ge3A_43 : vector<32x128xf32>
    %convert_element_type3A = arith.extui %ge3A_44 : vector<32x128xi1> to vector<32x128xi32>
    %add3A_45 = arith.addi %broadcast_in_dim3A_42, %convert_element_type3A : vector<32x128xi32>
    %ge3A_46 = arith.constant 2.24999982E-4 : f32
    %ge3A_47 = vector.broadcast %ge3A_46 : f32 to vector<32x128xf32>
    %ge3A_48 = arith.cmpf oge, %get3A_40, %ge3A_47 : vector<32x128xf32>
    %convert_element_type3A_49 = arith.extui %ge3A_48 : vector<32x128xi1> to vector<32x128xi32>
    %add3A_50 = arith.addi %add3A_45, %convert_element_type3A_49 : vector<32x128xi32>
    %ge3A_51 = arith.constant 6.25000102E-4 : f32
    %ge3A_52 = vector.broadcast %ge3A_51 : f32 to vector<32x128xf32>
    %ge3A_53 = arith.cmpf oge, %get3A_40, %ge3A_52 : vector<32x128xf32>
    %convert_element_type3A_54 = arith.extui %ge3A_53 : vector<32x128xi1> to vector<32x128xi32>
    %add3A_55 = arith.addi %add3A_50, %convert_element_type3A_54 : vector<32x128xi32>
    %ge3A_56 = arith.constant 0.0012249999 : f32
    %ge3A_57 = vector.broadcast %ge3A_56 : f32 to vector<32x128xf32>
    %ge3A_58 = arith.cmpf oge, %get3A_40, %ge3A_57 : vector<32x128xf32>
    %convert_element_type3A_59 = arith.extui %ge3A_58 : vector<32x128xi1> to vector<32x128xi32>
    %add3A_60 = arith.addi %add3A_55, %convert_element_type3A_59 : vector<32x128xi32>
    %ge3A_61 = arith.constant 3.025000e-03 : f32
    %ge3A_62 = vector.broadcast %ge3A_61 : f32 to vector<32x128xf32>
    %ge3A_63 = arith.cmpf oge, %get3A_40, %ge3A_62 : vector<32x128xf32>
    %convert_element_type3A_64 = arith.extui %ge3A_63 : vector<32x128xi1> to vector<32x128xi32>
    %add3A_65 = arith.addi %add3A_60, %convert_element_type3A_64 : vector<32x128xi32>
    %ge3A_66 = arith.constant 3.025000e-03 : f32
    %ge3A_67 = vector.broadcast %ge3A_66 : f32 to vector<32x128xf32>
    %ge3A_68 = arith.cmpf oge, %get3A_40, %ge3A_67 : vector<32x128xf32>
    %convert_element_type3A_69 = arith.extui %ge3A_68 : vector<32x128xi1> to vector<32x128xi32>
    %add3A_70 = arith.addi %add3A_65, %convert_element_type3A_69 : vector<32x128xi32>
    %ge3A_71 = arith.constant 0.00422500027 : f32
    %ge3A_72 = vector.broadcast %ge3A_71 : f32 to vector<32x128xf32>
    %ge3A_73 = arith.cmpf oge, %get3A_40, %ge3A_72 : vector<32x128xf32>
    %convert_element_type3A_74 = arith.extui %ge3A_73 : vector<32x128xi1> to vector<32x128xi32>
    %add3A_75 = arith.addi %add3A_70, %convert_element_type3A_74 : vector<32x128xi32>
    %ge3A_76 = arith.constant 5.625000e-03 : f32
    %ge3A_77 = vector.broadcast %ge3A_76 : f32 to vector<32x128xf32>
    %ge3A_78 = arith.cmpf oge, %get3A_40, %ge3A_77 : vector<32x128xf32>
    %convert_element_type3A_79 = arith.extui %ge3A_78 : vector<32x128xi1> to vector<32x128xi32>
    %add3A_80 = arith.addi %add3A_75, %convert_element_type3A_79 : vector<32x128xi32>
    %ge3A_81 = arith.constant 0.0090249991 : f32
    %ge3A_82 = vector.broadcast %ge3A_81 : f32 to vector<32x128xf32>
    %ge3A_83 = arith.cmpf oge, %get3A_40, %ge3A_82 : vector<32x128xf32>
    %convert_element_type3A_84 = arith.extui %ge3A_83 : vector<32x128xi1> to vector<32x128xi32>
    %add3A_85 = arith.addi %add3A_80, %convert_element_type3A_84 : vector<32x128xi32>
    %ge3A_86 = arith.constant 1.102500e-02 : f32
    %ge3A_87 = vector.broadcast %ge3A_86 : f32 to vector<32x128xf32>
    %ge3A_88 = arith.cmpf oge, %get3A_40, %ge3A_87 : vector<32x128xf32>
    %convert_element_type3A_89 = arith.extui %ge3A_88 : vector<32x128xi1> to vector<32x128xi32>
    %add3A_90 = arith.addi %add3A_85, %convert_element_type3A_89 : vector<32x128xi32>
    %ge3A_91 = arith.constant 1.102500e-02 : f32
    %ge3A_92 = vector.broadcast %ge3A_91 : f32 to vector<32x128xf32>
    %ge3A_93 = arith.cmpf oge, %get3A_40, %ge3A_92 : vector<32x128xf32>
    %convert_element_type3A_94 = arith.extui %ge3A_93 : vector<32x128xi1> to vector<32x128xi32>
    %add3A_95 = arith.addi %add3A_90, %convert_element_type3A_94 : vector<32x128xi32>
    %ge3A_96 = arith.constant 0.0132249985 : f32
    %ge3A_97 = vector.broadcast %ge3A_96 : f32 to vector<32x128xf32>
    %ge3A_98 = arith.cmpf oge, %get3A_40, %ge3A_97 : vector<32x128xf32>
    %convert_element_type3A_99 = arith.extui %ge3A_98 : vector<32x128xi1> to vector<32x128xi32>
    %add3A_100 = arith.addi %add3A_95, %convert_element_type3A_99 : vector<32x128xi32>
    %ge3A_101 = arith.constant 0.0156250037 : f32
    %ge3A_102 = vector.broadcast %ge3A_101 : f32 to vector<32x128xf32>
    %ge3A_103 = arith.cmpf oge, %get3A_40, %ge3A_102 : vector<32x128xf32>
    %convert_element_type3A_104 = arith.extui %ge3A_103 : vector<32x128xi1> to vector<32x128xi32>
    %add3A_105 = arith.addi %add3A_100, %convert_element_type3A_104 : vector<32x128xi32>
    %ge3A_106 = arith.constant 0.0182250012 : f32
    %ge3A_107 = vector.broadcast %ge3A_106 : f32 to vector<32x128xf32>
    %ge3A_108 = arith.cmpf oge, %get3A_40, %ge3A_107 : vector<32x128xf32>
    %convert_element_type3A_109 = arith.extui %ge3A_108 : vector<32x128xi1> to vector<32x128xi32>
    %add3A_110 = arith.addi %add3A_105, %convert_element_type3A_109 : vector<32x128xi32>
    %ge3A_111 = arith.constant 0.0240249988 : f32
    %ge3A_112 = vector.broadcast %ge3A_111 : f32 to vector<32x128xf32>
    %ge3A_113 = arith.cmpf oge, %get3A_40, %ge3A_112 : vector<32x128xf32>
    %convert_element_type3A_114 = arith.extui %ge3A_113 : vector<32x128xi1> to vector<32x128xi32>
    %add3A_115 = arith.addi %add3A_110, %convert_element_type3A_114 : vector<32x128xi32>
    %ge3A_116 = arith.constant 0.0240249988 : f32
    %ge3A_117 = vector.broadcast %ge3A_116 : f32 to vector<32x128xf32>
    %ge3A_118 = arith.cmpf oge, %get3A_40, %ge3A_117 : vector<32x128xf32>
    %convert_element_type3A_119 = arith.extui %ge3A_118 : vector<32x128xi1> to vector<32x128xi32>
    %add3A_120 = arith.addi %add3A_115, %convert_element_type3A_119 : vector<32x128xi32>
    %ge3A_121 = arith.constant 2.722500e-02 : f32
    %ge3A_122 = vector.broadcast %ge3A_121 : f32 to vector<32x128xf32>
    %ge3A_123 = arith.cmpf oge, %get3A_40, %ge3A_122 : vector<32x128xf32>
    %convert_element_type3A_124 = arith.extui %ge3A_123 : vector<32x128xi1> to vector<32x128xi32>
    %add3A_125 = arith.addi %add3A_120, %convert_element_type3A_124 : vector<32x128xi32>
    %ge3A_126 = arith.constant 0.0342250057 : f32
    %ge3A_127 = vector.broadcast %ge3A_126 : f32 to vector<32x128xf32>
    %ge3A_128 = arith.cmpf oge, %get3A_40, %ge3A_127 : vector<32x128xf32>
    %convert_element_type3A_129 = arith.extui %ge3A_128 : vector<32x128xi1> to vector<32x128xi32>
    %add3A_130 = arith.addi %add3A_125, %convert_element_type3A_129 : vector<32x128xi32>
    %ge3A_131 = arith.constant 0.0342250057 : f32
    %ge3A_132 = vector.broadcast %ge3A_131 : f32 to vector<32x128xf32>
    %ge3A_133 = arith.cmpf oge, %get3A_40, %ge3A_132 : vector<32x128xf32>
    %convert_element_type3A_134 = arith.extui %ge3A_133 : vector<32x128xi1> to vector<32x128xi32>
    %add3A_135 = arith.addi %add3A_130, %convert_element_type3A_134 : vector<32x128xi32>
    %ge3A_136 = arith.constant 0.0420250036 : f32
    %ge3A_137 = vector.broadcast %ge3A_136 : f32 to vector<32x128xf32>
    %ge3A_138 = arith.cmpf oge, %get3A_40, %ge3A_137 : vector<32x128xf32>
    %convert_element_type3A_139 = arith.extui %ge3A_138 : vector<32x128xi1> to vector<32x128xi32>
    %add3A_140 = arith.addi %add3A_135, %convert_element_type3A_139 : vector<32x128xi32>
    %ge3A_141 = arith.constant 0.0420250036 : f32
    %ge3A_142 = vector.broadcast %ge3A_141 : f32 to vector<32x128xf32>
    %ge3A_143 = arith.cmpf oge, %get3A_40, %ge3A_142 : vector<32x128xf32>
    %convert_element_type3A_144 = arith.extui %ge3A_143 : vector<32x128xi1> to vector<32x128xi32>
    %add3A_145 = arith.addi %add3A_140, %convert_element_type3A_144 : vector<32x128xi32>
    %ge3A_146 = arith.constant 0.0462249927 : f32
    %ge3A_147 = vector.broadcast %ge3A_146 : f32 to vector<32x128xf32>
    %ge3A_148 = arith.cmpf oge, %get3A_40, %ge3A_147 : vector<32x128xf32>
    %convert_element_type3A_149 = arith.extui %ge3A_148 : vector<32x128xi1> to vector<32x128xi32>
    %add3A_150 = arith.addi %add3A_145, %convert_element_type3A_149 : vector<32x128xi32>
    %ge3A_151 = arith.constant 5.522500e-02 : f32
    %ge3A_152 = vector.broadcast %ge3A_151 : f32 to vector<32x128xf32>
    %ge3A_153 = arith.cmpf oge, %get3A_40, %ge3A_152 : vector<32x128xf32>
    %convert_element_type3A_154 = arith.extui %ge3A_153 : vector<32x128xi1> to vector<32x128xi32>
    %add3A_155 = arith.addi %add3A_150, %convert_element_type3A_154 : vector<32x128xi32>
    %ge3A_156 = arith.constant 5.522500e-02 : f32
    %ge3A_157 = vector.broadcast %ge3A_156 : f32 to vector<32x128xf32>
    %ge3A_158 = arith.cmpf oge, %get3A_40, %ge3A_157 : vector<32x128xf32>
    %convert_element_type3A_159 = arith.extui %ge3A_158 : vector<32x128xi1> to vector<32x128xi32>
    %add3A_160 = arith.addi %add3A_155, %convert_element_type3A_159 : vector<32x128xi32>
    %ge3A_161 = arith.constant 6.002500e-02 : f32
    %ge3A_162 = vector.broadcast %ge3A_161 : f32 to vector<32x128xf32>
    %ge3A_163 = arith.cmpf oge, %get3A_40, %ge3A_162 : vector<32x128xf32>
    %convert_element_type3A_164 = arith.extui %ge3A_163 : vector<32x128xi1> to vector<32x128xi32>
    %add3A_165 = arith.addi %add3A_160, %convert_element_type3A_164 : vector<32x128xi32>
    %ge3A_166 = arith.constant 0.0650249943 : f32
    %ge3A_167 = vector.broadcast %ge3A_166 : f32 to vector<32x128xf32>
    %ge3A_168 = arith.cmpf oge, %get3A_40, %ge3A_167 : vector<32x128xf32>
    %convert_element_type3A_169 = arith.extui %ge3A_168 : vector<32x128xi1> to vector<32x128xi32>
    %add3A_170 = arith.addi %add3A_165, %convert_element_type3A_169 : vector<32x128xi32>
    %ge3A_171 = arith.constant 7.562500e-02 : f32
    %ge3A_172 = vector.broadcast %ge3A_171 : f32 to vector<32x128xf32>
    %ge3A_173 = arith.cmpf oge, %get3A_40, %ge3A_172 : vector<32x128xf32>
    %convert_element_type3A_174 = arith.extui %ge3A_173 : vector<32x128xi1> to vector<32x128xi32>
    %add3A_175 = arith.addi %add3A_170, %convert_element_type3A_174 : vector<32x128xi32>
    %ge3A_176 = arith.constant 7.562500e-02 : f32
    %ge3A_177 = vector.broadcast %ge3A_176 : f32 to vector<32x128xf32>
    %ge3A_178 = arith.cmpf oge, %get3A_40, %ge3A_177 : vector<32x128xf32>
    %convert_element_type3A_179 = arith.extui %ge3A_178 : vector<32x128xi1> to vector<32x128xi32>
    %add3A_180 = arith.addi %add3A_175, %convert_element_type3A_179 : vector<32x128xi32>
    %ge3A_181 = arith.constant 0.0812250077 : f32
    %ge3A_182 = vector.broadcast %ge3A_181 : f32 to vector<32x128xf32>
    %ge3A_183 = arith.cmpf oge, %get3A_40, %ge3A_182 : vector<32x128xf32>
    %convert_element_type3A_184 = arith.extui %ge3A_183 : vector<32x128xi1> to vector<32x128xi32>
    %add3A_185 = arith.addi %add3A_180, %convert_element_type3A_184 : vector<32x128xi32>
    %ge3A_186 = arith.constant 0.0930249989 : f32
    %ge3A_187 = vector.broadcast %ge3A_186 : f32 to vector<32x128xf32>
    %ge3A_188 = arith.cmpf oge, %get3A_40, %ge3A_187 : vector<32x128xf32>
    %convert_element_type3A_189 = arith.extui %ge3A_188 : vector<32x128xi1> to vector<32x128xi32>
    %add3A_190 = arith.addi %add3A_185, %convert_element_type3A_189 : vector<32x128xi32>
    %ge3A_191 = arith.constant 0.0930249989 : f32
    %ge3A_192 = vector.broadcast %ge3A_191 : f32 to vector<32x128xf32>
    %ge3A_193 = arith.cmpf oge, %get3A_40, %ge3A_192 : vector<32x128xf32>
    %convert_element_type3A_194 = arith.extui %ge3A_193 : vector<32x128xi1> to vector<32x128xi32>
    %add3A_195 = arith.addi %add3A_190, %convert_element_type3A_194 : vector<32x128xi32>
    %ge3A_196 = arith.constant 0.099224992 : f32
    %ge3A_197 = vector.broadcast %ge3A_196 : f32 to vector<32x128xf32>
    %ge3A_198 = arith.cmpf oge, %get3A_40, %ge3A_197 : vector<32x128xf32>
    %convert_element_type3A_199 = arith.extui %ge3A_198 : vector<32x128xi1> to vector<32x128xi32>
    %add3A_200 = arith.addi %add3A_195, %convert_element_type3A_199 : vector<32x128xi32>
    %ge3A_201 = arith.constant 0.112224981 : f32
    %ge3A_202 = vector.broadcast %ge3A_201 : f32 to vector<32x128xf32>
    %ge3A_203 = arith.cmpf oge, %get3A_40, %ge3A_202 : vector<32x128xf32>
    %convert_element_type3A_204 = arith.extui %ge3A_203 : vector<32x128xi1> to vector<32x128xi32>
    %add3A_205 = arith.addi %add3A_200, %convert_element_type3A_204 : vector<32x128xi32>
    %ge3A_206 = arith.constant 0.112224981 : f32
    %ge3A_207 = vector.broadcast %ge3A_206 : f32 to vector<32x128xf32>
    %ge3A_208 = arith.cmpf oge, %get3A_40, %ge3A_207 : vector<32x128xf32>
    %convert_element_type3A_209 = arith.extui %ge3A_208 : vector<32x128xi1> to vector<32x128xi32>
    %add3A_210 = arith.addi %add3A_205, %convert_element_type3A_209 : vector<32x128xi32>
    %ge3A_211 = arith.constant 0.119025014 : f32
    %ge3A_212 = vector.broadcast %ge3A_211 : f32 to vector<32x128xf32>
    %ge3A_213 = arith.cmpf oge, %get3A_40, %ge3A_212 : vector<32x128xf32>
    %convert_element_type3A_214 = arith.extui %ge3A_213 : vector<32x128xi1> to vector<32x128xi32>
    %add3A_215 = arith.addi %add3A_210, %convert_element_type3A_214 : vector<32x128xi32>
    %ge3A_216 = arith.constant 0.133225024 : f32
    %ge3A_217 = vector.broadcast %ge3A_216 : f32 to vector<32x128xf32>
    %ge3A_218 = arith.cmpf oge, %get3A_40, %ge3A_217 : vector<32x128xf32>
    %convert_element_type3A_219 = arith.extui %ge3A_218 : vector<32x128xi1> to vector<32x128xi32>
    %add3A_220 = arith.addi %add3A_215, %convert_element_type3A_219 : vector<32x128xi32>
    %ge3A_221 = arith.constant 0.133225024 : f32
    %ge3A_222 = vector.broadcast %ge3A_221 : f32 to vector<32x128xf32>
    %ge3A_223 = arith.cmpf oge, %get3A_40, %ge3A_222 : vector<32x128xf32>
    %convert_element_type3A_224 = arith.extui %ge3A_223 : vector<32x128xi1> to vector<32x128xi32>
    %add3A_225 = arith.addi %add3A_220, %convert_element_type3A_224 : vector<32x128xi32>
    %ge3A_226 = arith.constant 1.406250e-01 : f32
    %ge3A_227 = vector.broadcast %ge3A_226 : f32 to vector<32x128xf32>
    %ge3A_228 = arith.cmpf oge, %get3A_40, %ge3A_227 : vector<32x128xf32>
    %convert_element_type3A_229 = arith.extui %ge3A_228 : vector<32x128xi1> to vector<32x128xi32>
    %add3A_230 = arith.addi %add3A_225, %convert_element_type3A_229 : vector<32x128xi32>
    %ge3A_231 = arith.constant 0.148225009 : f32
    %ge3A_232 = vector.broadcast %ge3A_231 : f32 to vector<32x128xf32>
    %ge3A_233 = arith.cmpf oge, %get3A_40, %ge3A_232 : vector<32x128xf32>
    %convert_element_type3A_234 = arith.extui %ge3A_233 : vector<32x128xi1> to vector<32x128xi32>
    %add3A_235 = arith.addi %add3A_230, %convert_element_type3A_234 : vector<32x128xi32>
    %ge3A_236 = arith.constant 0.164025024 : f32
    %ge3A_237 = vector.broadcast %ge3A_236 : f32 to vector<32x128xf32>
    %ge3A_238 = arith.cmpf oge, %get3A_40, %ge3A_237 : vector<32x128xf32>
    %convert_element_type3A_239 = arith.extui %ge3A_238 : vector<32x128xi1> to vector<32x128xi32>
    %add3A_240 = arith.addi %add3A_235, %convert_element_type3A_239 : vector<32x128xi32>
    %ge3A_241 = arith.constant 0.164025024 : f32
    %ge3A_242 = vector.broadcast %ge3A_241 : f32 to vector<32x128xf32>
    %ge3A_243 = arith.cmpf oge, %get3A_40, %ge3A_242 : vector<32x128xf32>
    %convert_element_type3A_244 = arith.extui %ge3A_243 : vector<32x128xi1> to vector<32x128xi32>
    %add3A_245 = arith.addi %add3A_240, %convert_element_type3A_244 : vector<32x128xi32>
    %ge3A_246 = arith.constant 0.172224984 : f32
    %ge3A_247 = vector.broadcast %ge3A_246 : f32 to vector<32x128xf32>
    %ge3A_248 = arith.cmpf oge, %get3A_40, %ge3A_247 : vector<32x128xf32>
    %convert_element_type3A_249 = arith.extui %ge3A_248 : vector<32x128xi1> to vector<32x128xi32>
    %add3A_250 = arith.addi %add3A_245, %convert_element_type3A_249 : vector<32x128xi32>
    %ge3A_251 = arith.constant 0.189224973 : f32
    %ge3A_252 = vector.broadcast %ge3A_251 : f32 to vector<32x128xf32>
    %ge3A_253 = arith.cmpf oge, %get3A_40, %ge3A_252 : vector<32x128xf32>
    %convert_element_type3A_254 = arith.extui %ge3A_253 : vector<32x128xi1> to vector<32x128xi32>
    %add3A_255 = arith.addi %add3A_250, %convert_element_type3A_254 : vector<32x128xi32>
    %ge3A_256 = arith.constant 0.189224973 : f32
    %ge3A_257 = vector.broadcast %ge3A_256 : f32 to vector<32x128xf32>
    %ge3A_258 = arith.cmpf oge, %get3A_40, %ge3A_257 : vector<32x128xf32>
    %convert_element_type3A_259 = arith.extui %ge3A_258 : vector<32x128xi1> to vector<32x128xi32>
    %add3A_260 = arith.addi %add3A_255, %convert_element_type3A_259 : vector<32x128xi32>
    %ge3A_261 = arith.constant 0.198025018 : f32
    %ge3A_262 = vector.broadcast %ge3A_261 : f32 to vector<32x128xf32>
    %ge3A_263 = arith.cmpf oge, %get3A_40, %ge3A_262 : vector<32x128xf32>
    %convert_element_type3A_264 = arith.extui %ge3A_263 : vector<32x128xi1> to vector<32x128xi32>
    %add3A_265 = arith.addi %add3A_260, %convert_element_type3A_264 : vector<32x128xi32>
    %ge3A_266 = arith.constant 0.216225028 : f32
    %ge3A_267 = vector.broadcast %ge3A_266 : f32 to vector<32x128xf32>
    %ge3A_268 = arith.cmpf oge, %get3A_40, %ge3A_267 : vector<32x128xf32>
    %convert_element_type3A_269 = arith.extui %ge3A_268 : vector<32x128xi1> to vector<32x128xi32>
    %add3A_270 = arith.addi %add3A_265, %convert_element_type3A_269 : vector<32x128xi32>
    %ge3A_271 = arith.constant 0.216225028 : f32
    %ge3A_272 = vector.broadcast %ge3A_271 : f32 to vector<32x128xf32>
    %ge3A_273 = arith.cmpf oge, %get3A_40, %ge3A_272 : vector<32x128xf32>
    %convert_element_type3A_274 = arith.extui %ge3A_273 : vector<32x128xi1> to vector<32x128xi32>
    %add3A_275 = arith.addi %add3A_270, %convert_element_type3A_274 : vector<32x128xi32>
    %ge3A_276 = arith.constant 2.256250e-01 : f32
    %ge3A_277 = vector.broadcast %ge3A_276 : f32 to vector<32x128xf32>
    %ge3A_278 = arith.cmpf oge, %get3A_40, %ge3A_277 : vector<32x128xf32>
    %convert_element_type3A_279 = arith.extui %ge3A_278 : vector<32x128xi1> to vector<32x128xi32>
    %add3A_280 = arith.addi %add3A_275, %convert_element_type3A_279 : vector<32x128xi32>
    %ge3A_281 = arith.constant 0.245024964 : f32
    %ge3A_282 = vector.broadcast %ge3A_281 : f32 to vector<32x128xf32>
    %ge3A_283 = arith.cmpf oge, %get3A_40, %ge3A_282 : vector<32x128xf32>
    %convert_element_type3A_284 = arith.extui %ge3A_283 : vector<32x128xi1> to vector<32x128xi32>
    %add3A_285 = arith.addi %add3A_280, %convert_element_type3A_284 : vector<32x128xi32>
    %ge3A_286 = arith.constant 0.245024964 : f32
    %ge3A_287 = vector.broadcast %ge3A_286 : f32 to vector<32x128xf32>
    %ge3A_288 = arith.cmpf oge, %get3A_40, %ge3A_287 : vector<32x128xf32>
    %convert_element_type3A_289 = arith.extui %ge3A_288 : vector<32x128xi1> to vector<32x128xi32>
    %add3A_290 = arith.addi %add3A_285, %convert_element_type3A_289 : vector<32x128xi32>
    %ge3A_291 = arith.constant 0.255025029 : f32
    %ge3A_292 = vector.broadcast %ge3A_291 : f32 to vector<32x128xf32>
    %ge3A_293 = arith.cmpf oge, %get3A_40, %ge3A_292 : vector<32x128xf32>
    %convert_element_type3A_294 = arith.extui %ge3A_293 : vector<32x128xi1> to vector<32x128xi32>
    %add3A_295 = arith.addi %add3A_290, %convert_element_type3A_294 : vector<32x128xi32>
    %ge3A_296 = arith.constant 0.265224963 : f32
    %ge3A_297 = vector.broadcast %ge3A_296 : f32 to vector<32x128xf32>
    %ge3A_298 = arith.cmpf oge, %get3A_40, %ge3A_297 : vector<32x128xf32>
    %convert_element_type3A_299 = arith.extui %ge3A_298 : vector<32x128xi1> to vector<32x128xi32>
    %add3A_300 = arith.addi %add3A_295, %convert_element_type3A_299 : vector<32x128xi32>
    %ge3A_301 = arith.constant 0.27562502 : f32
    %ge3A_302 = vector.broadcast %ge3A_301 : f32 to vector<32x128xf32>
    %ge3A_303 = arith.cmpf oge, %get3A_40, %ge3A_302 : vector<32x128xf32>
    %convert_element_type3A_304 = arith.extui %ge3A_303 : vector<32x128xi1> to vector<32x128xi32>
    %add3A_305 = arith.addi %add3A_300, %convert_element_type3A_304 : vector<32x128xi32>
    %ge3A_306 = arith.constant 2.970250e-01 : f32
    %ge3A_307 = vector.broadcast %ge3A_306 : f32 to vector<32x128xf32>
    %ge3A_308 = arith.cmpf oge, %get3A_40, %ge3A_307 : vector<32x128xf32>
    %convert_element_type3A_309 = arith.extui %ge3A_308 : vector<32x128xi1> to vector<32x128xi32>
    %add3A_310 = arith.addi %add3A_305, %convert_element_type3A_309 : vector<32x128xi32>
    %ge3A_311 = arith.constant 2.970250e-01 : f32
    %ge3A_312 = vector.broadcast %ge3A_311 : f32 to vector<32x128xf32>
    %ge3A_313 = arith.cmpf oge, %get3A_40, %ge3A_312 : vector<32x128xf32>
    %convert_element_type3A_314 = arith.extui %ge3A_313 : vector<32x128xi1> to vector<32x128xi32>
    %add3A_315 = arith.addi %add3A_310, %convert_element_type3A_314 : vector<32x128xi32>
    %ge3A_316 = arith.constant 3.080250e-01 : f32
    %ge3A_317 = vector.broadcast %ge3A_316 : f32 to vector<32x128xf32>
    %ge3A_318 = arith.cmpf oge, %get3A_40, %ge3A_317 : vector<32x128xf32>
    %convert_element_type3A_319 = arith.extui %ge3A_318 : vector<32x128xi1> to vector<32x128xi32>
    %add3A_320 = arith.addi %add3A_315, %convert_element_type3A_319 : vector<32x128xi32>
    %ge3A_321 = arith.constant 0.319225043 : f32
    %ge3A_322 = vector.broadcast %ge3A_321 : f32 to vector<32x128xf32>
    %ge3A_323 = arith.cmpf oge, %get3A_40, %ge3A_322 : vector<32x128xf32>
    %convert_element_type3A_324 = arith.extui %ge3A_323 : vector<32x128xi1> to vector<32x128xi32>
    %add3A_325 = arith.addi %add3A_320, %convert_element_type3A_324 : vector<32x128xi32>
    %ge3A_326 = arith.constant 0.330624968 : f32
    %ge3A_327 = vector.broadcast %ge3A_326 : f32 to vector<32x128xf32>
    %ge3A_328 = arith.cmpf oge, %get3A_40, %ge3A_327 : vector<32x128xf32>
    %convert_element_type3A_329 = arith.extui %ge3A_328 : vector<32x128xi1> to vector<32x128xi32>
    %add3A_330 = arith.addi %add3A_325, %convert_element_type3A_329 : vector<32x128xi32>
    %ge3A_331 = arith.constant 0.342225015 : f32
    %ge3A_332 = vector.broadcast %ge3A_331 : f32 to vector<32x128xf32>
    %ge3A_333 = arith.cmpf oge, %get3A_40, %ge3A_332 : vector<32x128xf32>
    %convert_element_type3A_334 = arith.extui %ge3A_333 : vector<32x128xi1> to vector<32x128xi32>
    %add3A_335 = arith.addi %add3A_330, %convert_element_type3A_334 : vector<32x128xi32>
    %ge3A_336 = arith.constant 3.660250e-01 : f32
    %ge3A_337 = vector.broadcast %ge3A_336 : f32 to vector<32x128xf32>
    %ge3A_338 = arith.cmpf oge, %get3A_40, %ge3A_337 : vector<32x128xf32>
    %convert_element_type3A_339 = arith.extui %ge3A_338 : vector<32x128xi1> to vector<32x128xi32>
    %add3A_340 = arith.addi %add3A_335, %convert_element_type3A_339 : vector<32x128xi32>
    %ge3A_341 = arith.constant 3.660250e-01 : f32
    %ge3A_342 = vector.broadcast %ge3A_341 : f32 to vector<32x128xf32>
    %ge3A_343 = arith.cmpf oge, %get3A_40, %ge3A_342 : vector<32x128xf32>
    %convert_element_type3A_344 = arith.extui %ge3A_343 : vector<32x128xi1> to vector<32x128xi32>
    %add3A_345 = arith.addi %add3A_340, %convert_element_type3A_344 : vector<32x128xi32>
    %ge3A_346 = arith.constant 3.782250e-01 : f32
    %ge3A_347 = vector.broadcast %ge3A_346 : f32 to vector<32x128xf32>
    %ge3A_348 = arith.cmpf oge, %get3A_40, %ge3A_347 : vector<32x128xf32>
    %convert_element_type3A_349 = arith.extui %ge3A_348 : vector<32x128xi1> to vector<32x128xi32>
    %add3A_350 = arith.addi %add3A_345, %convert_element_type3A_349 : vector<32x128xi32>
    %ge3A_351 = arith.constant 0.39062506 : f32
    %ge3A_352 = vector.broadcast %ge3A_351 : f32 to vector<32x128xf32>
    %ge3A_353 = arith.cmpf oge, %get3A_40, %ge3A_352 : vector<32x128xf32>
    %convert_element_type3A_354 = arith.extui %ge3A_353 : vector<32x128xi1> to vector<32x128xi32>
    %add3A_355 = arith.addi %add3A_350, %convert_element_type3A_354 : vector<32x128xi32>
    %ge3A_356 = arith.constant 0.403224975 : f32
    %ge3A_357 = vector.broadcast %ge3A_356 : f32 to vector<32x128xf32>
    %ge3A_358 = arith.cmpf oge, %get3A_40, %ge3A_357 : vector<32x128xf32>
    %convert_element_type3A_359 = arith.extui %ge3A_358 : vector<32x128xi1> to vector<32x128xi32>
    %add3A_360 = arith.addi %add3A_355, %convert_element_type3A_359 : vector<32x128xi32>
    %ge3A_361 = arith.constant 0.416025043 : f32
    %ge3A_362 = vector.broadcast %ge3A_361 : f32 to vector<32x128xf32>
    %ge3A_363 = arith.cmpf oge, %get3A_40, %ge3A_362 : vector<32x128xf32>
    %convert_element_type3A_364 = arith.extui %ge3A_363 : vector<32x128xi1> to vector<32x128xi32>
    %add3A_365 = arith.addi %add3A_360, %convert_element_type3A_364 : vector<32x128xi32>
    %ge3A_366 = arith.constant 0.442225069 : f32
    %ge3A_367 = vector.broadcast %ge3A_366 : f32 to vector<32x128xf32>
    %ge3A_368 = arith.cmpf oge, %get3A_40, %ge3A_367 : vector<32x128xf32>
    %convert_element_type3A_369 = arith.extui %ge3A_368 : vector<32x128xi1> to vector<32x128xi32>
    %add3A_370 = arith.addi %add3A_365, %convert_element_type3A_369 : vector<32x128xi32>
    %ge3A_371 = arith.constant 0.455624908 : f32
    %ge3A_372 = vector.broadcast %ge3A_371 : f32 to vector<32x128xf32>
    %ge3A_373 = arith.cmpf oge, %get3A_40, %ge3A_372 : vector<32x128xf32>
    %convert_element_type3A_374 = arith.extui %ge3A_373 : vector<32x128xi1> to vector<32x128xi32>
    %add3A_375 = arith.addi %add3A_370, %convert_element_type3A_374 : vector<32x128xi32>
    %ge3A_376 = arith.constant 0.455624908 : f32
    %ge3A_377 = vector.broadcast %ge3A_376 : f32 to vector<32x128xf32>
    %ge3A_378 = arith.cmpf oge, %get3A_40, %ge3A_377 : vector<32x128xf32>
    %convert_element_type3A_379 = arith.extui %ge3A_378 : vector<32x128xi1> to vector<32x128xi32>
    %add3A_380 = arith.addi %add3A_375, %convert_element_type3A_379 : vector<32x128xi32>
    %ge3A_381 = arith.constant 0.469225049 : f32
    %ge3A_382 = vector.broadcast %ge3A_381 : f32 to vector<32x128xf32>
    %ge3A_383 = arith.cmpf oge, %get3A_40, %ge3A_382 : vector<32x128xf32>
    %convert_element_type3A_384 = arith.extui %ge3A_383 : vector<32x128xi1> to vector<32x128xi32>
    %add3A_385 = arith.addi %add3A_380, %convert_element_type3A_384 : vector<32x128xi32>
    %ge3A_386 = arith.constant 0.483024955 : f32
    %ge3A_387 = vector.broadcast %ge3A_386 : f32 to vector<32x128xf32>
    %ge3A_388 = arith.cmpf oge, %get3A_40, %ge3A_387 : vector<32x128xf32>
    %convert_element_type3A_389 = arith.extui %ge3A_388 : vector<32x128xi1> to vector<32x128xi32>
    %add3A_390 = arith.addi %add3A_385, %convert_element_type3A_389 : vector<32x128xi32>
    %ge3A_391 = arith.constant 0.497025043 : f32
    %ge3A_392 = vector.broadcast %ge3A_391 : f32 to vector<32x128xf32>
    %ge3A_393 = arith.cmpf oge, %get3A_40, %ge3A_392 : vector<32x128xf32>
    %convert_element_type3A_394 = arith.extui %ge3A_393 : vector<32x128xi1> to vector<32x128xi32>
    %add3A_395 = arith.addi %add3A_390, %convert_element_type3A_394 : vector<32x128xi32>
    %ge3A_396 = arith.constant 0.52562505 : f32
    %ge3A_397 = vector.broadcast %ge3A_396 : f32 to vector<32x128xf32>
    %ge3A_398 = arith.cmpf oge, %get3A_40, %ge3A_397 : vector<32x128xf32>
    %convert_element_type3A_399 = arith.extui %ge3A_398 : vector<32x128xi1> to vector<32x128xi32>
    %add3A_400 = arith.addi %add3A_395, %convert_element_type3A_399 : vector<32x128xi32>
    %ge3A_401 = arith.constant 0.54022491 : f32
    %ge3A_402 = vector.broadcast %ge3A_401 : f32 to vector<32x128xf32>
    %ge3A_403 = arith.cmpf oge, %get3A_40, %ge3A_402 : vector<32x128xf32>
    %convert_element_type3A_404 = arith.extui %ge3A_403 : vector<32x128xi1> to vector<32x128xi32>
    %add3A_405 = arith.addi %add3A_400, %convert_element_type3A_404 : vector<32x128xi32>
    %ge3A_406 = arith.constant 0.54022491 : f32
    %ge3A_407 = vector.broadcast %ge3A_406 : f32 to vector<32x128xf32>
    %ge3A_408 = arith.cmpf oge, %get3A_40, %ge3A_407 : vector<32x128xf32>
    %convert_element_type3A_409 = arith.extui %ge3A_408 : vector<32x128xi1> to vector<32x128xi32>
    %add3A_410 = arith.addi %add3A_405, %convert_element_type3A_409 : vector<32x128xi32>
    %ge3A_411 = arith.constant 0.555025101 : f32
    %ge3A_412 = vector.broadcast %ge3A_411 : f32 to vector<32x128xf32>
    %ge3A_413 = arith.cmpf oge, %get3A_40, %ge3A_412 : vector<32x128xf32>
    %convert_element_type3A_414 = arith.extui %ge3A_413 : vector<32x128xi1> to vector<32x128xi32>
    %add3A_415 = arith.addi %add3A_410, %convert_element_type3A_414 : vector<32x128xi32>
    %ge3A_416 = arith.constant 0.570024967 : f32
    %ge3A_417 = vector.broadcast %ge3A_416 : f32 to vector<32x128xf32>
    %ge3A_418 = arith.cmpf oge, %get3A_40, %ge3A_417 : vector<32x128xf32>
    %convert_element_type3A_419 = arith.extui %ge3A_418 : vector<32x128xi1> to vector<32x128xi32>
    %add3A_420 = arith.addi %add3A_415, %convert_element_type3A_419 : vector<32x128xi32>
    %ge3A_421 = arith.constant 0.585225046 : f32
    %ge3A_422 = vector.broadcast %ge3A_421 : f32 to vector<32x128xf32>
    %ge3A_423 = arith.cmpf oge, %get3A_40, %ge3A_422 : vector<32x128xf32>
    %convert_element_type3A_424 = arith.extui %ge3A_423 : vector<32x128xi1> to vector<32x128xi32>
    %add3A_425 = arith.addi %add3A_420, %convert_element_type3A_424 : vector<32x128xi32>
    %ge3A_426 = arith.constant 0.600624919 : f32
    %ge3A_427 = vector.broadcast %ge3A_426 : f32 to vector<32x128xf32>
    %ge3A_428 = arith.cmpf oge, %get3A_40, %ge3A_427 : vector<32x128xf32>
    %convert_element_type3A_429 = arith.extui %ge3A_428 : vector<32x128xi1> to vector<32x128xi32>
    %add3A_430 = arith.addi %add3A_425, %convert_element_type3A_429 : vector<32x128xi32>
    %ge3A_431 = arith.constant 0.632024943 : f32
    %ge3A_432 = vector.broadcast %ge3A_431 : f32 to vector<32x128xf32>
    %ge3A_433 = arith.cmpf oge, %get3A_40, %ge3A_432 : vector<32x128xf32>
    %convert_element_type3A_434 = arith.extui %ge3A_433 : vector<32x128xi1> to vector<32x128xi32>
    %add3A_435 = arith.addi %add3A_430, %convert_element_type3A_434 : vector<32x128xi32>
    %ge3A_436 = arith.constant 0.648025095 : f32
    %ge3A_437 = vector.broadcast %ge3A_436 : f32 to vector<32x128xf32>
    %ge3A_438 = arith.cmpf oge, %get3A_40, %ge3A_437 : vector<32x128xf32>
    %convert_element_type3A_439 = arith.extui %ge3A_438 : vector<32x128xi1> to vector<32x128xi32>
    %add3A_440 = arith.addi %add3A_435, %convert_element_type3A_439 : vector<32x128xi32>
    %ge3A_441 = arith.constant 0.648025095 : f32
    %ge3A_442 = vector.broadcast %ge3A_441 : f32 to vector<32x128xf32>
    %ge3A_443 = arith.cmpf oge, %get3A_40, %ge3A_442 : vector<32x128xf32>
    %convert_element_type3A_444 = arith.extui %ge3A_443 : vector<32x128xi1> to vector<32x128xi32>
    %add3A_445 = arith.addi %add3A_440, %convert_element_type3A_444 : vector<32x128xi32>
    %ge3A_446 = arith.constant 6.642250e-01 : f32
    %ge3A_447 = vector.broadcast %ge3A_446 : f32 to vector<32x128xf32>
    %ge3A_448 = arith.cmpf oge, %get3A_40, %ge3A_447 : vector<32x128xf32>
    %convert_element_type3A_449 = arith.extui %ge3A_448 : vector<32x128xi1> to vector<32x128xi32>
    %add3A_450 = arith.addi %add3A_445, %convert_element_type3A_449 : vector<32x128xi32>
    %ge3A_451 = arith.constant 0.680625081 : f32
    %ge3A_452 = vector.broadcast %ge3A_451 : f32 to vector<32x128xf32>
    %ge3A_453 = arith.cmpf oge, %get3A_40, %ge3A_452 : vector<32x128xf32>
    %convert_element_type3A_454 = arith.extui %ge3A_453 : vector<32x128xi1> to vector<32x128xi32>
    %add3A_455 = arith.addi %add3A_450, %convert_element_type3A_454 : vector<32x128xi32>
    %ge3A_456 = arith.constant 0.697224915 : f32
    %ge3A_457 = vector.broadcast %ge3A_456 : f32 to vector<32x128xf32>
    %ge3A_458 = arith.cmpf oge, %get3A_40, %ge3A_457 : vector<32x128xf32>
    %convert_element_type3A_459 = arith.extui %ge3A_458 : vector<32x128xi1> to vector<32x128xi32>
    %add3A_460 = arith.addi %add3A_455, %convert_element_type3A_459 : vector<32x128xi32>
    %ge3A_461 = arith.constant 0.73102492 : f32
    %ge3A_462 = vector.broadcast %ge3A_461 : f32 to vector<32x128xf32>
    %ge3A_463 = arith.cmpf oge, %get3A_40, %ge3A_462 : vector<32x128xf32>
    %convert_element_type3A_464 = arith.extui %ge3A_463 : vector<32x128xi1> to vector<32x128xi32>
    %add3A_465 = arith.addi %add3A_460, %convert_element_type3A_464 : vector<32x128xi32>
    %ge3A_466 = arith.constant 0.748225093 : f32
    %ge3A_467 = vector.broadcast %ge3A_466 : f32 to vector<32x128xf32>
    %ge3A_468 = arith.cmpf oge, %get3A_40, %ge3A_467 : vector<32x128xf32>
    %convert_element_type3A_469 = arith.extui %ge3A_468 : vector<32x128xi1> to vector<32x128xi32>
    %add3A_470 = arith.addi %add3A_465, %convert_element_type3A_469 : vector<32x128xi32>
    %ge3A_471 = arith.constant 0.748225093 : f32
    %ge3A_472 = vector.broadcast %ge3A_471 : f32 to vector<32x128xf32>
    %ge3A_473 = arith.cmpf oge, %get3A_40, %ge3A_472 : vector<32x128xf32>
    %convert_element_type3A_474 = arith.extui %ge3A_473 : vector<32x128xi1> to vector<32x128xi32>
    %add3A_475 = arith.addi %add3A_470, %convert_element_type3A_474 : vector<32x128xi32>
    %ge3A_476 = arith.constant 7.656250e-01 : f32
    %ge3A_477 = vector.broadcast %ge3A_476 : f32 to vector<32x128xf32>
    %ge3A_478 = arith.cmpf oge, %get3A_40, %ge3A_477 : vector<32x128xf32>
    %convert_element_type3A_479 = arith.extui %ge3A_478 : vector<32x128xi1> to vector<32x128xi32>
    %add3A_480 = arith.addi %add3A_475, %convert_element_type3A_479 : vector<32x128xi32>
    %ge3A_481 = arith.constant 0.783225059 : f32
    %ge3A_482 = vector.broadcast %ge3A_481 : f32 to vector<32x128xf32>
    %ge3A_483 = arith.cmpf oge, %get3A_40, %ge3A_482 : vector<32x128xf32>
    %convert_element_type3A_484 = arith.extui %ge3A_483 : vector<32x128xi1> to vector<32x128xi32>
    %add3A_485 = arith.addi %add3A_480, %convert_element_type3A_484 : vector<32x128xi32>
    %ge3A_486 = arith.constant 0.801024913 : f32
    %ge3A_487 = vector.broadcast %ge3A_486 : f32 to vector<32x128xf32>
    %ge3A_488 = arith.cmpf oge, %get3A_40, %ge3A_487 : vector<32x128xf32>
    %convert_element_type3A_489 = arith.extui %ge3A_488 : vector<32x128xi1> to vector<32x128xi32>
    %add3A_490 = arith.addi %add3A_485, %convert_element_type3A_489 : vector<32x128xi32>
    %ge3A_491 = arith.constant 0.8372249 : f32
    %ge3A_492 = vector.broadcast %ge3A_491 : f32 to vector<32x128xf32>
    %ge3A_493 = arith.cmpf oge, %get3A_40, %ge3A_492 : vector<32x128xf32>
    %convert_element_type3A_494 = arith.extui %ge3A_493 : vector<32x128xi1> to vector<32x128xi32>
    %add3A_495 = arith.addi %add3A_490, %convert_element_type3A_494 : vector<32x128xi32>
    %ge3A_496 = arith.constant 0.855625092 : f32
    %ge3A_497 = vector.broadcast %ge3A_496 : f32 to vector<32x128xf32>
    %ge3A_498 = arith.cmpf oge, %get3A_40, %ge3A_497 : vector<32x128xf32>
    %convert_element_type3A_499 = arith.extui %ge3A_498 : vector<32x128xi1> to vector<32x128xi32>
    %add3A_500 = arith.addi %add3A_495, %convert_element_type3A_499 : vector<32x128xi32>
    %ge3A_501 = arith.constant 0.855625092 : f32
    %ge3A_502 = vector.broadcast %ge3A_501 : f32 to vector<32x128xf32>
    %ge3A_503 = arith.cmpf oge, %get3A_40, %ge3A_502 : vector<32x128xf32>
    %convert_element_type3A_504 = arith.extui %ge3A_503 : vector<32x128xi1> to vector<32x128xi32>
    %add3A_505 = arith.addi %add3A_500, %convert_element_type3A_504 : vector<32x128xi32>
    %ge3A_506 = arith.constant 0.874224841 : f32
    %ge3A_507 = vector.broadcast %ge3A_506 : f32 to vector<32x128xf32>
    %ge3A_508 = arith.cmpf oge, %get3A_40, %ge3A_507 : vector<32x128xf32>
    %convert_element_type3A_509 = arith.extui %ge3A_508 : vector<32x128xi1> to vector<32x128xi32>
    %add3A_510 = arith.addi %add3A_505, %convert_element_type3A_509 : vector<32x128xi32>
    %ge3A_511 = arith.constant 0.8930251 : f32
    %ge3A_512 = vector.broadcast %ge3A_511 : f32 to vector<32x128xf32>
    %ge3A_513 = arith.cmpf oge, %get3A_40, %ge3A_512 : vector<32x128xf32>
    %convert_element_type3A_514 = arith.extui %ge3A_513 : vector<32x128xi1> to vector<32x128xi32>
    %add3A_515 = arith.addi %add3A_510, %convert_element_type3A_514 : vector<32x128xi32>
    %ge3A_516 = arith.constant 0.912024915 : f32
    %ge3A_517 = vector.broadcast %ge3A_516 : f32 to vector<32x128xf32>
    %ge3A_518 = arith.cmpf oge, %get3A_40, %ge3A_517 : vector<32x128xf32>
    %convert_element_type3A_519 = arith.extui %ge3A_518 : vector<32x128xi1> to vector<32x128xi32>
    %add3A_520 = arith.addi %add3A_515, %convert_element_type3A_519 : vector<32x128xi32>
    %ge3A_521 = arith.constant 0.950624883 : f32
    %ge3A_522 = vector.broadcast %ge3A_521 : f32 to vector<32x128xf32>
    %ge3A_523 = arith.cmpf oge, %get3A_40, %ge3A_522 : vector<32x128xf32>
    %convert_element_type3A_524 = arith.extui %ge3A_523 : vector<32x128xi1> to vector<32x128xi32>
    %add3A_525 = arith.addi %add3A_520, %convert_element_type3A_524 : vector<32x128xi32>
    %ge3A_526 = arith.constant 0.970225095 : f32
    %ge3A_527 = vector.broadcast %ge3A_526 : f32 to vector<32x128xf32>
    %ge3A_528 = arith.cmpf oge, %get3A_40, %ge3A_527 : vector<32x128xf32>
    %convert_element_type3A_529 = arith.extui %ge3A_528 : vector<32x128xi1> to vector<32x128xi32>
    %add3A_530 = arith.addi %add3A_525, %convert_element_type3A_529 : vector<32x128xi32>
    %ge3A_531 = arith.constant 0.990024864 : f32
    %ge3A_532 = vector.broadcast %ge3A_531 : f32 to vector<32x128xf32>
    %ge3A_533 = arith.cmpf oge, %get3A_40, %ge3A_532 : vector<32x128xf32>
    %convert_element_type3A_534 = arith.extui %ge3A_533 : vector<32x128xi1> to vector<32x128xi32>
    %add3A_535 = arith.addi %add3A_530, %convert_element_type3A_534 : vector<32x128xi32>
    %reshape3A_536 = vector.shape_cast %add3A_535 : vector<32x128xi32> to vector<1x32x128xi32>
    %swap3A_537 = arith.constant 0 : index
    %swap3A_538 = arith.constant 0 : index
    %swap3A_539 = arith.constant 0 : index
    %swap3A_540 = vector.load %arg3[%swap3A_537, %swap3A_538, %swap3A_539] : memref<1x32x128xi32, #tpu.memory_space<vmem>>, vector<1x32x128xi32>
    tpu.vector_store %arg3[%swap3A_537, %swap3A_538, %swap3A_539], %reshape3A_536 {strides = array<i32>} : memref<1x32x128xi32, #tpu.memory_space<vmem>>, vector<1x32x128xi32>,
    %get3A_541 = arith.constant 0 : index
    %get3A_542 = arith.constant 0 : index
    %get3A_543 = vector.load %arg7[%get3A_541, %get3A_542] : memref<32x128xf32, #tpu.memory_space<vmem>>, vector<32x128xf32>
    %reshape3A_544 = vector.shape_cast %get3A_543 : vector<32x128xf32> to vector<1x32x128xf32>
    %swap3A_545 = arith.constant 0 : index
    %swap3A_546 = arith.constant 0 : index
    %swap3A_547 = arith.constant 0 : index
    %swap3A_548 = vector.load %arg4[%swap3A_545, %swap3A_546, %swap3A_547] : memref<1x32x128xf32, #tpu.memory_space<vmem>>, vector<1x32x128xf32>
    tpu.vector_store %arg4[%swap3A_545, %swap3A_546, %swap3A_547], %reshape3A_544 {strides = array<i32>} : memref<1x32x128xf32, #tpu.memory_space<vmem>>, vector<1x32x128xf32>,
    %get3A_549 = arith.constant 0 : index
    %get3A_550 = arith.constant 0 : index
    %get3A_551 = vector.load %arg1[%get3A_549, %get3A_550] : memref<4096x11xf32, #tpu.memory_space<vmem>>, vector<4096x11xf32>
    %get3A_552 = arith.constant 0 : index
    %get3A_553 = arith.constant 0 : index
    %get3A_554 = vector.load %arg2[%get3A_552, %get3A_553] : memref<4096x11xf32, #tpu.memory_space<vmem>>, vector<4096x11xf32>
    %ne3A = arith.cmpf one, %get3A_551, %get3A_554 : vector<4096x11xf32>
    %jit3A_555 = arith.constant 1.000000e+00 : f32
    %jit3A_556 = arith.constant 0.000000e+00 : f32
    %broadcast_in_dim3A_557 = vector.broadcast %jit3A_555 : f32 to vector<4096x11xf32>
    %broadcast_in_dim3A_558 = vector.broadcast %jit3A_556 : f32 to vector<4096x11xf32>
    %select_n3A_559 = arith.select %ne3A, %broadcast_in_dim3A_557, %broadcast_in_dim3A_558 : vector<4096x11xi1>, vector<4096x11xf32>
    %reduce_max3A = vector.shape_cast %select_n3A_559 : vector<4096x11xf32> to vector<1x4096x11xf32>
    %reduce_max3A_560 = arith.constant dense<0xFF800000> : vector<1xf32>
    %reduce_max3A_561 = vector.multi_reduction <maximumf>, %reduce_max3A, %reduce_max3A_560 [1, 2] : vector<1x4096x11xf32> to vector<1xf32>
    %reduce_max3A_562 = vector.shape_cast %reduce_max3A_561 : vector<1xf32> to vector<1x1x1xf32>
    %reduce_max3A_563 = vector.extract %reduce_max3A_562[0, 0, 0] : f32 from vector<1x1x1xf32>
    %broadcast_in_dim3A_564 = vector.broadcast %reduce_max3A_563 : f32 to vector<1x1x128xf32>
    %swap3A_565 = arith.constant 0 : index
    %swap3A_566 = arith.constant 0 : index
    %swap3A_567 = arith.constant 0 : index
    %swap3A_568 = vector.load %arg5[%swap3A_565, %swap3A_566, %swap3A_567] : memref<1x1x128xf32, #tpu.memory_space<vmem>>, vector<1x1x128xf32>
    tpu.vector_store %arg5[%swap3A_565, %swap3A_566, %swap3A_567], %broadcast_in_dim3A_564 {strides = array<i32>} : memref<1x1x128xf32, #tpu.memory_space<vmem>>, vector<1x1x128xf32>,
    return
  }
  func.func @transform_0(%arg0: i32) -> (i32, i32) {
    %c0_i32 = arith.constant 0 : i32
    %c0_i32_0 = arith.constant 0 : i32
    return %arg0, %c0_i32 : i32, i32
  }
  func.func @transform_1(%arg0: i32) -> (i32, i32) {
    %c0_i32 = arith.constant 0 : i32
    %c0_i32_0 = arith.constant 0 : i32
    return %arg0, %c0_i32 : i32, i32
  }
  func.func @transform_2(%arg0: i32) -> (i32, i32, i32) {
    %c0_i32 = arith.constant 0 : i32
    %c0_i32_0 = arith.constant 0 : i32
    %c0_i32_1 = arith.constant 0 : i32
    return %arg0, %c0_i32, %c0_i32_0 : i32, i32, i32
  }
  func.func @transform_3(%arg0: i32) -> (i32, i32, i32) {
    %c0_i32 = arith.constant 0 : i32
    %c0_i32_0 = arith.constant 0 : i32
    %c0_i32_1 = arith.constant 0 : i32
    return %arg0, %c0_i32, %c0_i32_0 : i32, i32, i32
  }
  func.func @transform_4(%arg0: i32) -> (i32, i32, i32) {
    %c0_i32 = arith.constant 0 : i32
    %c0_i32_0 = arith.constant 0 : i32
    %c0_i32_1 = arith.constant 0 : i32
    return %arg0, %c0_i32, %c0_i32_0 : i32, i32, i32
  }
}

</mosaic_0001>

<sc_bundles>
// kernel: kernel.4.cloned.1.call-start
scs
__scs_entry_jumppad:
0x0: {  	(pc) =	sbr.rel $0x88, $3  }
0x1: {  	(tag) =	ssettag $0x0;
	lr =	simm.s32 $0x1  }
0x2: {  	[smem:$0x3F9E] =	sst lr;
	_ =	strace $0xD0000000  }
0x3: {  	_ = 	snop  }
0x4: {  	_ = 	snop  }
0x5: {  	_ = 	snop  }
0x6: {  	_ = 	snop  }
0x7: {  	_ = 	snop  }
__scs_overlays_trampoline_lowered:
0x8: {  	[smem:$0x3FAD] =	sst s0  }
0x9: {  	[smem:$0x3FAE] =	sst s1  }
0xa: {  	[smem:$0x3FAF] =	sst s2  }
0xb: {  	[smem:$0x3FB0] =	sst s3  }
0xc: {  	[smem:$0x3FB1] =	sst s4  }
0xd: {  	[smem:$0x3FB2] =	sst s5  }
0xe: {  	[smem:$0x3FB3] =	sst s6  }
0xf: {  	[smem:$0x3FB4] =	sst s7  }
0x10: {  	[smem:$0x3FB5] =	sst s8  }
0x11: {  	[smem:$0x3FB6] =	sst s9;
	s0 =	simm.s32 @!p0 $0x0  }
0x12: {  	s1 =	sld [smem:$0x3F9C];
	s0 =	simm.s32 @p0 $0x1  }
0x13: {  	[smem:$0x3FB7] =	sst s0;
	s0 =	simm.s32 @!p1 $0x0  }
0x14: {  	s2 =	sld [smem:$0x3F9B];
	s0 =	simm.s32 @p1 $0x1  }
0x15: {  	[smem:$0x3FB8] =	sst s0;
	s0 =	simm.s32 @!p2 $0x0  }
0x16: {  	s3 =	sld [smem:$0x3FDB];
	s0 =	simm.s32 @p2 $0x1  }
0x17: {  	s4 =	simm.s32 $0x1BF5;
	[smem:$0x3FBA] =	sst s0  }
0x18: {  	s0 =	sld [smem:$0x3F9D];
	_ =	swait.ge [sflag:s4], $0x0  }
0x19: {  	s7 =	sld [smem:$0x3F9E]  }
0x1a: {  	s8 =	sadd.s32 $0xFFFFE003, lr  }
0x1b: {  	s9 =	sadd.s32 $0xFFFFFEF7, lr;
	s5 =	simm.s32 $0xFFFFFFFF;
	p2 =	slt.u32 s8, $0xFFFFF086  }
0x1c: {  	p1 =	slt.u32 s9, $0xF7A;
	s5 =	simm.s32 @!p2 $0x0  }
0x1d: {  	s5 =	simm.s32 @p1 $0x1;
	p0 =	seq.s32 s7, s2  }
0x1e: {  	s7 =	smul.u32 @!p0 $0xF7A, s2;
	p2 =	seq.s32 @!p0 s5, $0x0  }
0x1f: {  	s9 =	smul.u32 $0xF7A, s1;
	s8 =	simm.s32 @!p0 $0x1BF5;
	p2 =	por !p2, p0  }
0x20: {  	[sflag:s8] =	ssyncset.s32 @!p0 $0xFFFFF086;
	s6 =	sadd.s32 @!p0 s3, s7;
	s7 =	simm.s32 @!p0 $0x108  }
0x21: {  	s3 =	sadd.s32 s3, s9;
	s6 =	sadd.s32 @!p0 $0x88, s6;
	s7 =	simm.s32 @p2 $0x1082  }
0x22: {  	[simem:s7], [sflag:s8] =	dma.local @!p0 [hbm:s6], $0xF7A  }
0x23: {  	s9 =	sor.u32 $0xD0000000, s2;
	s6 =	simm.s32 $0x108;
	_ =	swait.ge @!p0 [sflag:s8], $0x0  }
0x24: {  	s3 =	sadd.s32 $0x88, s3;
	s6 =	simm.s32 @!p1 $0x1082;
	[sflag:s4] =	ssyncset.s32 $0xFFFFF086  }
0x25: {  	[simem:s6], [sflag:s4] =	dma.local [hbm:s3], $0xF7A  }
0x26: {  	[smem:$0x3F9E] =	sst s1;
	(tag) =	ssettag s2;
	_ =	strace s9  }
0x27: {  	s1 =	sld [smem:$0x3FAE]  }
0x28: {  	s2 =	sld [smem:$0x3FAF]  }
0x29: {  	s4 =	sld [smem:$0x3FB1]  }
0x2a: {  	p0 =	seq.s32 s5, $0x0;
	s5 =	sld [smem:$0x3FB2]  }
0x2b: {  	s6 =	sld [smem:$0x3FB3]  }
0x2c: {  	s7 =	sld [smem:$0x3FB4]  }
0x2d: {  	s3 =	simm.s32 $0x108;
	s8 =	sld [smem:$0x3FB5]  }
0x2e: {  	s3 =	simm.s32 @!p0 $0x1082;
	s9 =	sld [smem:$0x3FB6]  }
0x2f: {  	lr =	sadd.s32 s0, s3;
	s0 =	sld [smem:$0x3FAD]  }
0x30: {  	s3 =	sld [smem:$0x3FB0]  }
0x31: {  	[smem:$0x3FB9] =	sst s10  }
0x32: {  	s10 =	sld [smem:$0x3FB7];
	_ =	sdelay $0x3  }
0x33: {  	p0 =	seq.s32 s10, $0x1;
	s10 =	sld [smem:$0x3FB9];
	_ =	sdelay $0x3  }
0x34: {  	[smem:$0x3FB9] =	sst s10  }
0x35: {  	s10 =	sld [smem:$0x3FB8];
	_ =	sdelay $0x3  }
0x36: {  	p1 =	seq.s32 s10, $0x1;
	s10 =	sld [smem:$0x3FB9];
	_ =	sdelay $0x3  }
0x37: {  	[smem:$0x3FB9] =	sst s10  }
0x38: {  	s10 =	sld [smem:$0x3FBA]  }
0x39: {  	_ = 	snop;
	(pc) =	sbr.ind lr, $3  }
0x3a: {  	_ = 	snop  }
0x3b: {  	_ = 	snop  }
0x3c: {  	p2 =	seq.s32 s10, $0x1;
	s10 =	sld [smem:$0x3FB9]  }
0x3d: {  	_ =	shalt  }
0x3e: {  	_ =	shalt  }
0x3f: {  	_ =	shalt  }
0x40: {  	_ =	shalt  }
0x41: {  	_ =	shalt  }
0x42: {  	_ =	shalt  }
0x43: {  	_ =	shalt  }
0x44: {  	_ =	shalt  }
0x45: {  	_ =	shalt  }
0x46: {  	_ =	shalt  }
0x47: {  	_ =	shalt  }
0x48: {  	_ =	shalt  }
0x49: {  	_ =	shalt  }
0x4a: {  	_ =	shalt  }
0x4b: {  	_ =	shalt  }
0x4c: {  	_ =	shalt  }
0x4d: {  	_ =	shalt  }
0x4e: {  	_ =	shalt  }
0x4f: {  	_ =	shalt  }
0x50: {  	_ =	shalt  }
0x51: {  	_ =	shalt  }
0x52: {  	_ =	shalt  }
0x53: {  	_ =	shalt  }
0x54: {  	_ =	shalt  }
0x55: {  	_ =	shalt  }
0x56: {  	_ =	shalt  }
0x57: {  	_ =	shalt  }
0x58: {  	_ =	shalt  }
0x59: {  	_ =	shalt  }
0x5a: {  	_ =	shalt  }
0x5b: {  	_ =	shalt  }
0x5c: {  	_ =	shalt  }
0x5d: {  	_ =	shalt  }
0x5e: {  	_ =	shalt  }
0x5f: {  	_ =	shalt  }
0x60: {  	_ =	shalt  }
0x61: {  	_ =	shalt  }
0x62: {  	_ =	shalt  }
0x63: {  	_ =	shalt  }
0x64: {  	_ =	shalt  }
0x65: {  	_ =	shalt  }
0x66: {  	_ =	shalt  }
0x67: {  	_ =	shalt  }
0x68: {  	_ =	shalt  }
0x69: {  	_ =	shalt  }
0x6a: {  	_ =	shalt  }
0x6b: {  	_ =	shalt  }
0x6c: {  	_ =	shalt  }
0x6d: {  	_ =	shalt  }
0x6e: {  	_ =	shalt  }
0x6f: {  	_ =	shalt  }
0x70: {  	_ =	shalt  }
0x71: {  	_ =	shalt  }
0x72: {  	_ =	shalt  }
0x73: {  	_ =	shalt  }
0x74: {  	_ =	shalt  }
0x75: {  	_ =	shalt  }
0x76: {  	_ =	shalt  }
0x77: {  	_ =	shalt  }
0x78: {  	_ =	shalt  }
0x79: {  	_ =	shalt  }
0x7a: {  	_ =	shalt  }
0x7b: {  	_ =	shalt  }
0x7c: {  	_ =	shalt  }
0x7d: {  	_ =	shalt  }
0x7e: {  	_ =	shalt  }
0x7f: {  	_ =	shalt  }
0x80: {  	_ =	shalt  }
0x81: {  	_ =	shalt  }
0x82: {  	_ =	shalt  }
0x83: {  	_ =	shalt  }
0x84: {  	_ =	shalt  }
0x85: {  	_ =	shalt  }
0x86: {  	_ =	shalt  }
0x87: {  	_ =	shalt  }
.Lfunc_end0:
.L_simem_size_0:
called_computation_lowered:
.L_overlay_start_0:
0x88: {  	s2 =	sld [smem:$0x3FD9]  }
0x89: {  	s3 =	sld [smem:$0x3FFE];
	_ =	sdelay $0x1  }
0x8a: {  	s1 =	srdreg.scid  }
0x8b: {  	s0 =	sand.u32 $0x1, s1  }
0x8c: {  	s17 =	sshll.u32 s0, $0xA;
	s2 =	sadd.s32 s3, s2  }
0x8d: {  	s2 =	sadd.s32 s2, s17  }
0x8e: {  	[smem:$0x3FC5] =	sst s2  }
0x8f: {  	_ = 	snop  }
0x90: {  	s2 =	sld [smem:$0x3FD0];
	(tm) =	ssettm $0x1  }
0x91: {  	s18 =	sld [smem:$0x3FFB];
	_ =	sdelay $0x3  }
0x92: {  	_ =	strace s18  }
0x93: {  	s3 =	sld [smem:$0x3FFC];
	_ =	sdelay $0x3  }
0x94: {  	_ =	strace s3  }
0x95: {  	s3 =	sld [smem:$0x3FFD];
	_ =	sdelay $0x3  }
0x96: {  	_ =	strace s3  }
0x97: {  	_ =	strace $0x8FFFFFFF  }
0x98: {  	s19 =	sld [smem:$0x3FDB];
	_ =	sdelay $0x1  }
0x99: {  	s4 =	simm.s32 $_scs_section_size  }
0x9a: {  	s5 =	simm.s32 $_size__tile_overlayer_lowered;
	s6 =	simm.s32 $_tile_overlayer_lowered  }
0x9b: {  	s22 =	simm.s32 $0x1BFF;
	s21 =	sshll.u32 s6, $0x1;
	s3 =	sadd.s32 s4, s19  }
0x9c: {  	s7 =	simm.s32 $0x0;
	s20 =	sshll.u32 s5, $0x1;
	s5 =	sadd.s32 s21, s3  }
0x9d: {  	[timem:s7], [sflag:s22] =	dma.local [hbm:s5], s20  }
0x9e: {  	_ =	swait.ge [sflag:s22], s20  }
0x9f: {  	s4 =	ssub.s32 $0x0, s20;
	[sflag:s22] =	ssyncset.done $0x0  }
0xa0: {  	[sflag:s22] =	ssyncadd.s32 s4;
	_ =	sdelay $0x1  }
0xa1: {  	s23 =	simm.s32 $0x1B8B  }
0xa2: {  	_ =	swait.ge [sflag:s23], $0x1  }
0xa3: {  	[sflag:s23] =	ssyncset.done $0x0  }
0xa4: {  	s25 =	simm.s32 $0x1B8E;
	s24 =	sld [smem:$0x3FFE];
	[sflag:s23] =	ssyncadd.s32 $0xFFFFFFFF  }
0xa5: {  	s26 =	simm.s32 $execute0_lowered;
	[smem:$0x3FD2] =	sst s25  }
0xa6: {  	s5 =	sshll.u32 s26, $0x1;
	_ =	strace $0x80000046;
	[dreg:$0x1] =	wrdreg $0xFFFFFFFF  }
0xa7: {  	s28 =	simm.s32 $_size_execute0_lowered;
	s3 =	sadd.s32 s3, s5;
	[dreg:$0x0] =	wrdreg $0x0  }
0xa8: {  	s5 =	sshll.u32 s28, $0x1;
	[dreg:$0x2] =	wrdreg s3  }
0xa9: {  	[dreg:$0x3] =	wrdreg s5  }
0xaa: {  	[dreg:$0x4] =	wrdreg $0xC0  }
0xab: {  	_ =	task [dreg:s7], $0x5FFFF  }
0xac: {  	[dreg:$0x1] =	wrdreg $0xFFFFFFFF  }
0xad: {  	[dreg:$0x0] =	wrdreg $0x60  }
0xae: {  	[dreg:$0x2] =	wrdreg s24  }
0xaf: {  	[dreg:$0x3] =	wrdreg s2  }
0xb0: {  	[dreg:$0x4] =	wrdreg $0x9  }
0xb1: {  	_ =	task.clear_ibuf [dreg:s7], $0x5FFFF;
	_ =	strace $0x90000046  }
0xb2: {  	s29 =	simm.s32 $0x9;
	_ =	strace $0x80000048  }
0xb3: {  	_ =	swait.ge [sflag:s29], $0x1  }
0xb4: {  	[sflag:s29] =	ssyncadd.s32 $0xFFFFFFFF  }
0xb5: {  	_ =	strace $0x90000048  }
0xb6: {  	_ =	sfence  }
0xb7: {  	s30 =	sld [smem:$0x0];
	_ =	sdelay $0x2  }
0xb8: {  	s31 =	sshll.u32 s1, $0xD;
	s1 =	sshrl.u32 s1, $0x2  }
0xb9: {  	s3 =	sand.u32 $0x4000, s31;
	s1 =	sadd.s32 s1, s30  }
0xba: {  	s0 =	sor.u32 s3, s0;
	s1 =	sshll.u32 s1, $0x11  }
0xbb: {  	s0 =	sor.u32 s1, s0  }
0xbc: {  	s0 =	sadd.s32 $0x8F2B, s0  }
0xbd: {  	[sflag:s0] =	ssyncadd.remote.s32 $0x1  }
0xbe: {  	_ =	sfence.sel $0xFFFF  }
0xbf: {  	[dreg:$0x0] =	wrdreg $0xFFFFFFFF;
	(pc) =	sbr.abs _section_cstart, $3  }
0xc0: {  	[dreg:$0x1] =	wrdreg $0xFFFFFFFF  }
0xc1: {  	_ =	task.clear_ibuf [dreg:s7], $0x2FFFF;
	_ =	strace $0x9FFFFFFF  }
0xc2: {  	(tm) =	ssettm $0x7FFFFFFF  }
0xc3: {  	_ =	shalt  }
tec
execute0_lowered:
.L_overlay_start_1:
0x0: {  	(tag) =	ssettag $0x1  }
0x1: {  	s3 =	rddreg [dreg:$0x0]  }
0x2: {  	s7 =	rddreg [dreg:$0x1]  }
0x3: {  	s0 =	rddreg [dreg:$0x2]  }
0x4: {  	s4 =	srdreg.scid;
	s2 =	simm.s32 $0x0;
	s1 =	stileid.u32  }
0x5: {  	s10 =	simm.s32 $0x1;
	s11 =	simm.s32 $0x10400;
	s12 =	simm.s32 $0x2  }
0x6: {  	s13 =	simm.s32 $0x0;
	s4 =	sand.u32 $0x1, s4;
	[smem:$0x7FF] =	sst s2  }
0x7: {  	s5 =	sshll.u32 s1, $0xA;
	s6 =	sshll.u32 s4, $0x9;
	s4 =	ssub.s32 $0x2, s4  }
0x8: {  	_ =	strace $0x80000047;
	s5 =	sor.u32 s6, s5;
	s9 =	sshrl.u32 s4, $0x1  }
0x9: {  	s6 =	sshll.u32 s5, $0x4;
	s8 =	sshrl.u32 s5, $0x3;
	s9 =	ssub.s32 s4, s9  }
0xa: {  	s30 =	sadd.s32 s6, s3;
	s31 =	sadd.s32 s8, s3;
	s3 =	sadd.s32 $0x42600, s3  }
0xb: {  	v0 =	vlaneseq.u32;
	s7 =	sadd.s32 s7, s8;
	s8 =	smax.u32 s9, $0x1;
	s9 =	simm.s32 $0x10600  }
0xc: {  	v0 =	vmul.u32 $0x80, v0;
	s4 =	sadd.s32 $0x1600, s30;
	s5 =	sadd.s32 $0x41600, s31;
	s6 =	sadd.s32 $0x41E00, s31  }
.LBB2_1:
0xd: {  	[tilespmem:s2], [sflag:$0x1] =	stream.linear.gather [hbm4b:s4+s2], $0x10000, $0x38;
	[tilespmem:$0x10800] =	vst v63  }
0xe: {  	s15 =	simm.s32 $0x10000  }
0xf: {  	[tilespmem:s15], [sflag:$0x1] =	stream.linear.gather [hbm4b:s5+s2], $0x200, $0x38;
	[tilespmem:$0x10800] =	vst v63  }
0x10: {  	s14 =	simm.s32 $0x10200  }
0x11: {  	[tilespmem:s14], [sflag:$0x1] =	stream.linear.gather [hbm4b:s6+s2], $0x200, $0x38;
	[tilespmem:$0x10800] =	vst v63  }
0x12: {  	_ = 	snop  }
0x13: {  	[tilespmem:s9], [sflag:$0x1] =	stream.linear.gather [hbm4b:s3+s2], $0x200, $0x38;
	[tilespmem:$0x10800] =	vst v63  }
0x14: {  	_ =	swait.ge [sflag:s10], $0x10000  }
0x15: {  	[sflag:s10] =	ssyncset.done $0x0  }
0x16: {  	[sflag:s10] =	ssyncadd.s32 $0xFFFF0000  }
0x17: {  	_ =	swait.ge [sflag:s10], $0x200  }
0x18: {  	[sflag:s10] =	ssyncset.done $0x0  }
0x19: {  	[sflag:s10] =	ssyncadd.s32 $0xFFFFFE00  }
0x1a: {  	_ =	swait.ge [sflag:s10], $0x200  }
0x1b: {  	[sflag:s10] =	ssyncset.done $0x0  }
0x1c: {  	[sflag:s10] =	ssyncadd.s32 $0xFFFFFE00  }
0x1d: {  	_ =	swait.ge [sflag:s10], $0x200  }
0x1e: {  	[sflag:s10] =	ssyncset.done $0x0  }
0x1f: {  	[sflag:s10] =	ssyncadd.s32 $0xFFFFFE00  }
0x20: {  	v1 =	vld [tilespmem:$0x10600]  }
0x21: {  	v2 =	vld [tilespmem:$0x10610]  }
0x22: {  	v3 =	vld [tilespmem:$0x10620]  }
0x23: {  	v4 =	vld [tilespmem:$0x10630]  }
0x24: {  	v5 =	vld [tilespmem:$0x10640]  }
0x25: {  	v6 =	vld [tilespmem:$0x10650];
	v1 =	vmax.f32 v1, $0.0e+00  }
0x26: {  	v1 =	vmax.f32 v1, v2;
	v2 =	vld [tilespmem:$0x10660]  }
0x27: {  	v1 =	vmax.f32 v1, v3;
	v3 =	vld [tilespmem:$0x10670]  }
0x28: {  	v49 =	vld [tilespmem:$0x10680];
	v1 =	vmax.f32 v1, v4  }
0x29: {  	v50 =	vld [tilespmem:$0x10690];
	v1 =	vmax.f32 v1, v5  }
0x2a: {  	v51 =	vld [tilespmem:$0x106A0];
	v1 =	vmax.f32 v1, v6  }
0x2b: {  	v1 =	vmax.f32 v1, v2;
	v2 =	vld [tilespmem:$0x106B0]  }
0x2c: {  	v1 =	vmax.f32 v1, v3;
	v3 =	vld [tilespmem:$0x106C0]  }
0x2d: {  	v52 =	vld [tilespmem:$0x106D0];
	v1 =	vmax.f32 v1, v49  }
0x2e: {  	v53 =	vld [tilespmem:$0x106E0];
	v1 =	vmax.f32 v1, v50  }
0x2f: {  	v54 =	vld [tilespmem:$0x106F0];
	v1 =	vmax.f32 v1, v51  }
0x30: {  	v1 =	vmax.f32 v1, v2;
	v2 =	vld [tilespmem:$0x10700]  }
0x31: {  	v1 =	vmax.f32 v1, v3;
	v3 =	vld [tilespmem:$0x10710]  }
0x32: {  	v55 =	vld [tilespmem:$0x10720];
	v1 =	vmax.f32 v1, v52  }
0x33: {  	v56 =	vld [tilespmem:$0x10730];
	v1 =	vmax.f32 v1, v53  }
0x34: {  	v57 =	vld [tilespmem:$0x10740];
	v1 =	vmax.f32 v1, v54  }
0x35: {  	v1 =	vmax.f32 v1, v2;
	v2 =	vld [tilespmem:$0x10750]  }
0x36: {  	v1 =	vmax.f32 v1, v3;
	v3 =	vld [tilespmem:$0x10760]  }
0x37: {  	v58 =	vld [tilespmem:$0x10770];
	v1 =	vmax.f32 v1, v55  }
0x38: {  	v59 =	vld [tilespmem:$0x10780];
	v1 =	vmax.f32 v1, v56  }
0x39: {  	v60 =	vld [tilespmem:$0x10790];
	v1 =	vmax.f32 v1, v57  }
0x3a: {  	v1 =	vmax.f32 v1, v2;
	v2 =	vld [tilespmem:$0x107A0]  }
0x3b: {  	v1 =	vmax.f32 v1, v3;
	v3 =	vld [tilespmem:$0x107B0]  }
0x3c: {  	v61 =	vld [tilespmem:$0x107C0];
	v1 =	vmax.f32 v1, v58  }
0x3d: {  	v62 =	vld [tilespmem:$0x107D0];
	v1 =	vmax.f32 v1, v59  }
0x3e: {  	v63 =	vld [tilespmem:$0x107E0];
	v1 =	vmax.f32 v1, v60  }
0x3f: {  	v1 =	vmax.f32 v1, v2;
	v2 =	vld [tilespmem:$0x107F0]  }
0x40: {  	v1 =	vmax.f32 v1, v3  }
0x41: {  	v1 =	vmax.f32 v1, v61  }
0x42: {  	v1 =	vmax.f32 v1, v62  }
0x43: {  	v1 =	vmax.f32 v1, v63  }
0x44: {  	v1 =	vmax.f32 v1, v2  }
0x45: {  	(xrf0) =	vmax.scan.msk.f32 $0xffff, v1;
	_ =	sdelay $0x5  }
0x46: {  	v1, _, _ =	vpop (xrf0)  }
0x47: {  	(v2sf) =	vpush v1, $0xF  }
0x48: {  	v1 =	vld [tilespmem:s15+$0x0];
	_ =	sdelay $0x2  }
0x49: {  	v2 =	vmov s2  }
0x4a: {  	v2 =	vshll.u32 v2, $0x7  }
0x4b: {  	v2 =	vor.u32 v0, v2;
	v3 =	vand.u32 $0xFFFFFF80, v1  }
0x4c: {  	v1 =	vand.u32 $0x7F, v1;
	v2 =	vadd.s32 v2, v3  }
0x4d: {  	v1 =	vor.u32 v1, v2;
	_ =	sdelay $0x3  }
0x4e: {  	v2 =	vld [tilespmem:s14+$0x0]  }
0x4f: {  	v1 =	vld.idx.msk [tilespmem:v1+s2+$0x0], $0xffff;
	_ =	sdelay $0x1  }
0x50: {  	s31 =	spop (v2sf)  }
0x51: {  	p0 =	sgt.f32 s31, $0.0e+00  }
0x52: {  	s15 =	simm.f32 $1.000000000e+00  }
0x53: {  	v2 =	vmul.f32 v2, v1;
	s15 =	simm.s32 @!p0 $0x0  }
0x54: {  	v1 =	vmov s15  }
0x55: {  	v2 =	vmul.f32 v2, v1;
	_ =	sdelay $0x1  }
0x56: {  	s16 =	simm.s32 $0x10010;
	[tilespmem:s11+$0x0] =	vst v2  }
0x57: {  	s17 =	simm.s32 $0x10;
	s18 =	simm.s32 $0x20;
	s15 =	simm.s32 $0x10400;
	v2 =	vld [tilespmem:s16+$0x0]  }
.LBB2_2:
0x58: {  	p0 =	sne.s32 s18, $0x1F0;
	_ =	sdelay $0x1  }
0x59: {  	v3 =	vmov s17;
	s17 =	smov.u32 s18  }
0x5a: {  	v3 =	vshll.u32 v3, $0x7  }
0x5b: {  	v3 =	vor.u32 v0, v3;
	v4 =	vand.u32 $0xFFFFFF80, v2  }
0x5c: {  	v2 =	vand.u32 $0x7F, v2;
	v3 =	vadd.s32 v3, v4  }
0x5d: {  	v2 =	vor.u32 v2, v3;
	_ =	sdelay $0x4  }
0x5e: {  	s14 =	sadd.s32 $0x10, s14;
	v2 =	vld.idx.msk [tilespmem:v2+s2+$0x0], $0xffff  }
0x5f: {  	v3 =	vld [tilespmem:s14+$0x0];
	_ =	sdelay $0x4  }
0x60: {  	v2 =	vmul.f32 v3, v2  }
.Ltmp0:
0x61: {  	(pc) =	sbr.rel @p0 .LBB2_2-.Ltmp0, $4  }
0x62: {  	v2 =	vmul.f32 v2, v1  }
0x63: {  	s15 =	sadd.s32 $0x10, s15  }
0x64: {  	s16 =	sadd.s32 $0x10, s16;
	[tilespmem:s15+$0x0] =	vst v2  }
0x65: {  	s18 =	sadd.s32 $0x10, s18;
	v2 =	vld [tilespmem:s16+$0x0]  }
0x66: {  	_ =	sdelay $0x1  }
0x67: {  	v3 =	vmov s17  }
0x68: {  	v3 =	vshll.u32 v3, $0x7  }
0x69: {  	v3 =	vor.u32 v0, v3;
	v4 =	vand.u32 $0xFFFFFF80, v2  }
0x6a: {  	v2 =	vand.u32 $0x7F, v2;
	v3 =	vadd.s32 v3, v4  }
0x6b: {  	v2 =	vor.u32 v2, v3;
	_ =	sdelay $0x2  }
0x6c: {  	s14 =	sadd.s32 $0x10, s14  }
0x6d: {  	v3 =	vld [tilespmem:s14+$0x0]  }
0x6e: {  	v2 =	vld.idx.msk [tilespmem:v2+s2+$0x0], $0xffff;
	_ =	sdelay $0x4  }
0x6f: {  	v2 =	vmul.f32 v3, v2;
	_ =	sdelay $0x1  }
0x70: {  	s13 =	sadd.s32 $0x1, s13;
	v1 =	vmul.f32 v2, v1  }
0x71: {  	s31 =	sadd.s32 $0x10, s15;
	p0 =	sne.s32 s13, s8  }
.Ltmp1:
0x72: {  	[tilespmem:s31+$0x0] =	vst v1;
	(pc) =	sbr.rel @p0 .LBB2_1-.Ltmp1, $4  }
0x73: {  	[hbm4b:s7+s2] =	stream.linear.scatter [tilespmem:s11], [sflag:$0x2], $0x200, $0x38;
	[tilespmem:$0x10800] =	vst v63  }
0x74: {  	_ =	swait.ge [sflag:s12], $0x200  }
0x75: {  	[sflag:s12] =	ssyncset.done $0x0  }
0x76: {  	[sflag:s12] =	ssyncadd.s32 $0xFFFFFE00  }
0x77: {  	_ =	sfence.sel $0x180000  }
0x78: {  	[bflag:$0x0] =	sbarrier.arrive $0xFFFF  }
0x79: {  	p0 =	sne.s32 s1, $0x0;
	_ =	strace $0x90000047  }
0x7a: {  	s0 =	sadd.s32 @!p0 $0x100000, s0;
	[bflag:$0x2] =	sbarrier.arrive $0xFFFF  }
0x7b: {  	[sflag:s0] =	ssyncadd.tile.s32 @!p0 $0x1;
	_ =	shalt  }
.Lfunc_end2:
_tile_overlayer_lowered:
.L_overlay_start_2:
0x7c: {  	(tag) =	ssettag $0x2  }
0x7d: {  	s0 =	rddreg [dreg:$0x0];
	s2 =	stileid.u32  }
0x7e: {  	s1 =	rddreg [dreg:$0x1];
	p0 =	sne.s32 s2, $0x0  }
0x7f: {  	s3 =	rddreg [dreg:$0x2];
	[bflag:$0x3] =	sbarrier.arrive $0xFFFF;
	s2 =	simm.s32 @!p0 $0x1C02  }
0x80: {  	[timem:s3], [sflag:s2] =	dma.local @!p0 [hbm:s0], s1  }
0x81: {  	s0 =	simm.s32 @!p0 $0x2  }
0x82: {  	_ =	swait.ge @!p0 [sflag:s0], s1  }
0x83: {  	s1 =	ssub.s32 @!p0 $0x0, s1;
	[sflag:s0] =	ssyncset.done @!p0 $0x0  }
0x84: {  	[sflag:s0] =	ssyncadd.s32 @!p0 s1  }
0x85: {  	[bflag:$0x3] =	sbarrier.arrive $0xFFFF  }
0x86: {  	_ =	shalt  }

</sc_bundles>
